<compile_context>
chip_gen: v7x
topology: tpu7x:2x2x1
jax: 0.10.2.dev20260603
libtpu: 0.0.44.dev20260713+nightly
codegen_flags: <defaults>
</compile_context>

<pallas_src>
import functools

import jax
import jax.numpy as jnp
from jax import lax
from jax.experimental import pallas as pl
from jax.experimental.pallas import tpu as pltpu
from jax.experimental.pallas import tpu_sc as plsc

VOCAB = 1000000
SEQ = 200
BATCH = 4096
D = 32
NC = 2
NS = 16
NW = NC * NS
BPW = BATCH // NW
S = 10
NCHUNK = SEQ // S
LANES = 16


def _emb_avg(text_hbm, table_hbm, out_hbm, idx_v, rows_v, dst_idx, acc_v,
             acc_sh, sem0, sem1):
    cid = lax.axis_index("c")
    sid = lax.axis_index("s")
    wid = cid * NS + sid
    base = wid * BPW
    sh_base = sid * BPW
    sems = (sem0, sem1)

    zero16 = jnp.zeros((LANES,), jnp.float32)
    iota16 = lax.iota(jnp.int32, LANES)

    def fill_dst(i, _):
        def inner(j, _):
            dst_idx[pl.ds(i * BPW + j * LANES, LANES)] = (
                sh_base + j * LANES + iota16)
            return _
        return lax.fori_loop(0, BPW // LANES, inner, _)
    lax.fori_loop(0, S, fill_dst, None)

    def zbody(b, _):
        acc_v[b, pl.ds(0, LANES)] = zero16
        acc_v[b, pl.ds(LANES, LANES)] = zero16
        return _
    lax.fori_loop(0, BPW, zbody, None)
    pltpu.sync_copy(acc_v, acc_sh.at[pl.ds(sh_base, BPW)])

    def fire(c, k):
        pltpu.sync_copy(
            text_hbm.at[pl.ds(c * S, S), pl.ds(base, BPW)], idx_v.at[k])
        for s in range(S):
            pltpu.async_copy(
                table_hbm.at[idx_v.at[k, s]],
                rows_v.at[k, pl.ds(s * BPW, BPW)],
                sems[k],
            )

    def drain_and_accumulate(k):
        pltpu.make_async_copy(
            table_hbm.at[pl.ds(0, S * BPW)], rows_v.at[k], sems[k]).wait()
        pltpu.sync_copy(rows_v.at[k], acc_sh.at[dst_idx], add=True)

    fire(0, 0)

    def pair_body(i, _):
        c0 = 2 * i

        @pl.when(c0 + 1 < NCHUNK)
        def _fire1():
            fire(c0 + 1, 1)

        drain_and_accumulate(0)

        @pl.when(c0 + 2 < NCHUNK)
        def _fire0():
            fire(c0 + 2, 0)

        @pl.when(c0 + 1 < NCHUNK)
        def _drain1():
            drain_and_accumulate(1)
        return _

    lax.fori_loop(0, (NCHUNK + 1) // 2, pair_body, None)

    pltpu.sync_copy(acc_sh.at[pl.ds(sh_base, BPW)], acc_v)
    inv = jnp.float32(1.0 / SEQ)

    def scale_body(b, _):
        acc_v[b, pl.ds(0, LANES)] = acc_v[b, pl.ds(0, LANES)] * inv
        acc_v[b, pl.ds(LANES, LANES)] = acc_v[b, pl.ds(LANES, LANES)] * inv
        return _
    lax.fori_loop(0, BPW, scale_body, None)

    pltpu.sync_copy(acc_v, out_hbm.at[pl.ds(base, BPW)])


PADC = 8192
Q = 262144
NB = Q // PADC
LAST_BLK = (VOCAB - 1) // PADC


def _pack_body(x0_ref, x1_ref, x2_ref, x3_ref, out_ref):
    out_ref[...] = jnp.transpose(jnp.concatenate(
        [x0_ref[...], x1_ref[...], x2_ref[...], x3_ref[...]], axis=0))


def _pack_table(table_t):
    return pl.pallas_call(
        _pack_body,
        grid=(NB,),
        in_specs=[
            pl.BlockSpec(
                (D, PADC),
                lambda i, k=k: (0, jnp.minimum(i + k * NB, LAST_BLK)))
            for k in range(4)
        ],
        out_specs=pl.BlockSpec((PADC, 4 * D), lambda i: (i, 0)),
        out_shape=jax.ShapeDtypeStruct((Q, 4 * D), jnp.float32),
    )(table_t, table_t, table_t, table_t)


def kernel(text, embedding_weight):
    text = text.astype(jnp.int32)
    packed = _pack_table(jnp.transpose(embedding_weight))
    embedding_weight = jnp.reshape(packed, (4 * Q, D))
    text = 4 * (text & (Q - 1)) + (text >> 18)
    mesh = plsc.VectorSubcoreMesh(core_axis_name="c", subcore_axis_name="s")
    f = functools.partial(
        pl.kernel,
        mesh=mesh,
        compiler_params=pltpu.CompilerParams(use_tc_tiling_on_sc=False),
        out_type=jax.ShapeDtypeStruct((BATCH, D), jnp.float32),
        scratch_types=[
            pltpu.VMEM((2, S, BPW), jnp.int32),
            pltpu.VMEM((2, S * BPW, D), jnp.float32),
            pltpu.VMEM((S * BPW,), jnp.int32),
            pltpu.VMEM((BPW, D), jnp.float32),
            pltpu.VMEM_SHARED((NS * BPW, D), jnp.float32),
            pltpu.SemaphoreType.DMA,
            pltpu.SemaphoreType.DMA,
        ],
    )(_emb_avg)
    return f(text, embedding_weight)

# --- scband reference (transcript-rebuilt; emitter-appended) ---
"""Pipeline reference for scband-word-emb-avg-rnn-7834020348432 (READ-ONLY COPY).

The authoritative reference and input builder live on the scoring server;
editing this copy changes nothing except your own understanding.
"""

import jax, jax.numpy as jnp
import numpy as np

VOCAB = 1000000
EMBED_DIM = 32
SEQ_LEN = 200
BATCH = 4096

def setup_inputs(seed: int = 0) -> dict:
    key = jax.random.key(seed)
    k1, k2 = jax.random.split(key)
    text = jax.random.randint(k1, (SEQ_LEN, BATCH), 0, VOCAB, dtype=jnp.int64 if jax.config.jax_enable_x64 else jnp.int32)
    embedding_weight = jax.random.normal(k2, (VOCAB, EMBED_DIM), dtype=jnp.float32)
    return {"text": text, "embedding_weight": embedding_weight}

def reference(text, embedding_weight):
    # embedded = self.embedding(text)  -> gather rows of the table
    embedded = jnp.take(embedding_weight, text, axis=0)  # [SEQ_LEN, BATCH, EMBED_DIM]
    # narrative = torch.mean(embedded, dim=0)
    narrative = jnp.mean(embedded, axis=0)  # [BATCH, EMBED_DIM]
    # The original module returns an undefined name `y_tilde`; the only
    # computed quantity is `narrative`, so that is the faithful output.
    return narrative

if __name__ == "__main__":
    import jax
    _d = setup_inputs()
    print(jax.jit(kernel)(*tuple(_d.values())))

</pallas_src>

<mosaic_0001>
#map = affine_map<(d0, d1) -> (0, 0)>
module attributes {stable_mosaic.version = 14 : i64} {
  func.func @_emb_avg(%arg0: i32, %arg1: i32, %arg2: memref<200x4096xi32, #tpu.memory_space<hbm>>, %arg3: memref<1048576x32xf32, #tpu.memory_space<hbm>>, %arg4: memref<4096x32xf32, #tpu.memory_space<hbm>>, %arg5: memref<2x10x128xi32, #tpu.memory_space<vmem>>, %arg6: memref<2x1280x32xf32, #tpu.memory_space<vmem>>, %arg7: memref<1280xi32, #tpu.memory_space<vmem>>, %arg8: memref<128x32xf32, #tpu.memory_space<vmem>>, %arg9: memref<2048x32xf32, #tpu.memory_space<vmem_shared>>, %arg10: memref<!tpu.dma_semaphore, #tpu.memory_space<semaphore_mem>>, %arg11: memref<!tpu.dma_semaphore, #tpu.memory_space<semaphore_mem>>) attributes {dimension_semantics = [#tpu.dimension_semantics<core_parallel>, #tpu.dimension_semantics<subcore_parallel>], iteration_bounds = array<i64: 2, 16>, scalar_prefetch = 0 : i64, scratch_operands = 7 : i64, tpu.core_type = #tpu.core_type<sc_vector_subcore>, window_params = [{transform_indices = #map}, {transform_indices = #map}, {transform_indices = #map}]} {
    %mul3A = arith.constant 16 : i32
    %mul3A_0 = arith.muli %arg0, %mul3A : i32
    %add3A = arith.addi %mul3A_0, %arg1 : i32
    %mul3A_1 = arith.constant 128 : i32
    %mul3A_2 = arith.muli %add3A, %mul3A_1 : i32
    %mul3A_3 = arith.constant 128 : i32
    %mul3A_4 = arith.muli %arg1, %mul3A_3 : i32
    %broadcast_in_dim3A = arith.constant 0.000000e+00 : f32
    %broadcast_in_dim3A_5 = vector.broadcast %broadcast_in_dim3A : f32 to vector<16xf32>
    %iota3A = tpu.iota {dimensions = array<i32: 0>} : vector<16xi32>
    %scan3A = arith.constant 0 : i32
    %scan3A_6 = arith.constant 10 : i32
    %scan3A_7 = arith.addi %scan3A, %scan3A_6 : i32
    %scan3A_8 = arith.constant 1 : i32
    scf.for %scan3A_155 = %scan3A to %scan3A_7 step %scan3A_8  : i32 {
      %scan3A_156 = arith.constant 0 : i32
      %scan3A_157 = arith.constant 8 : i32
      %scan3A_158 = arith.addi %scan3A_156, %scan3A_157 : i32
      %scan3A_159 = arith.constant 1 : i32
      scf.for %scan3A_161 = %scan3A_156 to %scan3A_158 step %scan3A_159  : i32 {
        %mul3A_162 = arith.constant 16 : i32
        %mul3A_163 = arith.muli %scan3A_161, %mul3A_162 : i32
        %add3A_164 = arith.addi %mul3A_4, %mul3A_163 : i32
        %add3A_165 = vector.broadcast %add3A_164 : i32 to vector<16xi32>
        %add3A_166 = arith.addi %add3A_165, %iota3A : vector<16xi32>
        %mul3A_167 = arith.constant 128 : i32
        %mul3A_168 = arith.muli %scan3A_155, %mul3A_167 : i32
        %mul3A_169 = arith.constant 16 : i32
        %mul3A_170 = arith.muli %scan3A_161, %mul3A_169 : i32
        %add3A_171 = arith.addi %mul3A_168, %mul3A_170 : i32
        %swap3A = arith.index_cast %add3A_171 : i32 to index
        %swap3A_172 = tpu.vector_load %arg7[%swap3A] {strides = array<i32>} : memref<1280xi32, #tpu.memory_space<vmem>>, vector<16xi32>,
        %swap3A_173 = vector.shape_cast %swap3A_172 : vector<16xi32> to vector<16xi32>
        %swap3A_174 = vector.shape_cast %add3A_166 : vector<16xi32> to vector<16xi32>
        tpu.vector_store %arg7[%swap3A], %swap3A_174 {strides = array<i32>} : memref<1280xi32, #tpu.memory_space<vmem>>, vector<16xi32>,
      }
      %scan3A_160 = arith.constant 8 : i32
    }
    %scan3A_9 = arith.constant 10 : i32
    %scan3A_10 = arith.constant 0 : i32
    %scan3A_11 = arith.constant 128 : i32
    %scan3A_12 = arith.addi %scan3A_10, %scan3A_11 : i32
    %scan3A_13 = arith.constant 1 : i32
    scf.for %scan3A_155 = %scan3A_10 to %scan3A_12 step %scan3A_13  : i32 {
      %swap3A = arith.index_cast %scan3A_155 : i32 to index
      %swap3A_156 = arith.constant 0 : index
      %swap3A_157 = tpu.vector_load %arg8[%swap3A, %swap3A_156] {strides = array<i32>} : memref<128x32xf32, #tpu.memory_space<vmem>>, vector<1x16xf32>,
      %swap3A_158 = vector.shape_cast %swap3A_157 : vector<1x16xf32> to vector<16xf32>
      %swap3A_159 = vector.shape_cast %broadcast_in_dim3A_5 : vector<16xf32> to vector<1x16xf32>
      tpu.vector_store %arg8[%swap3A, %swap3A_156], %swap3A_159 {strides = array<i32>} : memref<128x32xf32, #tpu.memory_space<vmem>>, vector<1x16xf32>,
      %swap3A_160 = arith.index_cast %scan3A_155 : i32 to index
      %swap3A_161 = arith.constant 16 : index
      %swap3A_162 = tpu.vector_load %arg8[%swap3A_160, %swap3A_161] {strides = array<i32>} : memref<128x32xf32, #tpu.memory_space<vmem>>, vector<1x16xf32>,
      %swap3A_163 = vector.shape_cast %swap3A_162 : vector<1x16xf32> to vector<16xf32>
      %swap3A_164 = vector.shape_cast %broadcast_in_dim3A_5 : vector<16xf32> to vector<1x16xf32>
      tpu.vector_store %arg8[%swap3A_160, %swap3A_161], %swap3A_164 {strides = array<i32>} : memref<128x32xf32, #tpu.memory_space<vmem>>, vector<1x16xf32>,
    }
    %scan3A_14 = arith.constant 128 : i32
    "tpu.region"() ({
      %run_scoped3A_155 = tpu.sem_alloc : memref<!tpu.dma_semaphore, #tpu.memory_space<semaphore_mem>>
      %dma_start3A_156 = arith.constant 0 : i32
      %dma_start3A_157 = tpu.memref_slice %arg9[%mul3A_4, %dma_start3A_156] : memref<2048x32xf32, #tpu.memory_space<vmem_shared>> -> memref<128x32xf32, #tpu.memory_space<vmem_shared>>
      %dma_start3A_158 = arith.constant 0 : i32
      %dma_start3A_159 = tpu.memref_slice %arg9[%mul3A_4, %dma_start3A_158] : memref<2048x32xf32, #tpu.memory_space<vmem_shared>> -> memref<128x32xf32, #tpu.memory_space<vmem_shared>>
      tpu.enqueue_dma source(%arg8 : memref<128x32xf32, #tpu.memory_space<vmem>>) target(%dma_start3A_159 : memref<128x32xf32, #tpu.memory_space<vmem_shared>>) target_semaphore(%run_scoped3A_155 : memref<!tpu.dma_semaphore, #tpu.memory_space<semaphore_mem>>)
      %dma_wait3A = arith.constant 0 : i32
      %dma_wait3A_160 = tpu.memref_slice %arg9[%mul3A_4, %dma_wait3A] : memref<2048x32xf32, #tpu.memory_space<vmem_shared>> -> memref<128x32xf32, #tpu.memory_space<vmem_shared>>
      %dma_wait3A_161 = arith.constant 0 : i32
      %dma_wait3A_162 = tpu.memref_slice %arg9[%mul3A_4, %dma_wait3A_161] : memref<2048x32xf32, #tpu.memory_space<vmem_shared>> -> memref<128x32xf32, #tpu.memory_space<vmem_shared>>
      tpu.wait_dma2 semaphore(%run_scoped3A_155 : memref<!tpu.dma_semaphore, #tpu.memory_space<semaphore_mem>>) src(%arg8 : memref<128x32xf32, #tpu.memory_space<vmem>>) dst(%dma_wait3A_162 : memref<128x32xf32, #tpu.memory_space<vmem_shared>>)
      tpu.yield
    }) : () -> ()
    %run_scoped3A = arith.constant 0 : i32
    "tpu.region"() ({
      %run_scoped3A_155 = tpu.sem_alloc : memref<!tpu.dma_semaphore, #tpu.memory_space<semaphore_mem>>
      %dma_start3A_156 = arith.constant 0 : i32
      %dma_start3A_157 = arith.constant 0 : i32
      %dma_start3A_158 = tpu.memref_slice %arg5[%run_scoped3A, %dma_start3A_156, %dma_start3A_157] : memref<2x10x128xi32, #tpu.memory_space<vmem>> -> memref<1x10x128xi32, #tpu.memory_space<vmem>>
      %dma_start3A_159 = tpu.memref_squeeze %dma_start3A_158 : memref<1x10x128xi32, #tpu.memory_space<vmem>> -> memref<10x128xi32, #tpu.memory_space<vmem>>
      %dma_start3A_160 = arith.constant 0 : i32
      %dma_start3A_161 = tpu.memref_slice %arg2[%dma_start3A_160, %mul3A_2] : memref<200x4096xi32, #tpu.memory_space<hbm>> -> memref<10x128xi32, #tpu.memory_space<hbm>>
      %dma_start3A_162 = arith.constant 0 : i32
      %dma_start3A_163 = arith.constant 0 : i32
      %dma_start3A_164 = tpu.memref_slice %arg5[%run_scoped3A, %dma_start3A_162, %dma_start3A_163] : memref<2x10x128xi32, #tpu.memory_space<vmem>> -> memref<1x10x128xi32, #tpu.memory_space<vmem>>
      %dma_start3A_165 = tpu.memref_squeeze %dma_start3A_164 : memref<1x10x128xi32, #tpu.memory_space<vmem>> -> memref<10x128xi32, #tpu.memory_space<vmem>>
      %dma_start3A_166 = arith.constant 0 : i32
      %dma_start3A_167 = tpu.memref_slice %arg2[%dma_start3A_166, %mul3A_2] : memref<200x4096xi32, #tpu.memory_space<hbm>> -> memref<10x128xi32, #tpu.memory_space<hbm>>
      tpu.enqueue_dma source(%dma_start3A_167 : memref<10x128xi32, #tpu.memory_space<hbm>>) target(%dma_start3A_165 : memref<10x128xi32, #tpu.memory_space<vmem>>) target_semaphore(%run_scoped3A_155 : memref<!tpu.dma_semaphore, #tpu.memory_space<semaphore_mem>>)
      %dma_wait3A = arith.constant 0 : i32
      %dma_wait3A_168 = arith.constant 0 : i32
      %dma_wait3A_169 = tpu.memref_slice %arg5[%run_scoped3A, %dma_wait3A, %dma_wait3A_168] : memref<2x10x128xi32, #tpu.memory_space<vmem>> -> memref<1x10x128xi32, #tpu.memory_space<vmem>>
      %dma_wait3A_170 = tpu.memref_squeeze %dma_wait3A_169 : memref<1x10x128xi32, #tpu.memory_space<vmem>> -> memref<10x128xi32, #tpu.memory_space<vmem>>
      %dma_wait3A_171 = arith.constant 0 : i32
      %dma_wait3A_172 = tpu.memref_slice %arg2[%dma_wait3A_171, %mul3A_2] : memref<200x4096xi32, #tpu.memory_space<hbm>> -> memref<10x128xi32, #tpu.memory_space<hbm>>
      %dma_wait3A_173 = arith.constant 0 : i32
      %dma_wait3A_174 = arith.constant 0 : i32
      %dma_wait3A_175 = tpu.memref_slice %arg5[%run_scoped3A, %dma_wait3A_173, %dma_wait3A_174] : memref<2x10x128xi32, #tpu.memory_space<vmem>> -> memref<1x10x128xi32, #tpu.memory_space<vmem>>
      %dma_wait3A_176 = tpu.memref_squeeze %dma_wait3A_175 : memref<1x10x128xi32, #tpu.memory_space<vmem>> -> memref<10x128xi32, #tpu.memory_space<vmem>>
      %dma_wait3A_177 = arith.constant 0 : i32
      %dma_wait3A_178 = tpu.memref_slice %arg2[%dma_wait3A_177, %mul3A_2] : memref<200x4096xi32, #tpu.memory_space<hbm>> -> memref<10x128xi32, #tpu.memory_space<hbm>>
      tpu.wait_dma2 semaphore(%run_scoped3A_155 : memref<!tpu.dma_semaphore, #tpu.memory_space<semaphore_mem>>) src(%dma_wait3A_178 : memref<10x128xi32, #tpu.memory_space<hbm>>) dst(%dma_wait3A_176 : memref<10x128xi32, #tpu.memory_space<vmem>>)
      tpu.yield
    }) : () -> ()
    %dma_start3A = arith.constant 0 : i32
    %dma_start3A_15 = arith.constant 0 : i32
    %dma_start3A_16 = arith.constant 0 : i32
    %dma_start3A_17 = arith.constant 0 : i32
    %dma_start3A_18 = arith.constant 0 : i32
    %dma_start3A_19 = tpu.memref_slice %arg6[%dma_start3A_16, %dma_start3A_17, %dma_start3A_18] : memref<2x1280x32xf32, #tpu.memory_space<vmem>> -> memref<1x128x32xf32, #tpu.memory_space<vmem>>
    %dma_start3A_20 = tpu.memref_squeeze %dma_start3A_19 : memref<1x128x32xf32, #tpu.memory_space<vmem>> -> memref<128x32xf32, #tpu.memory_space<vmem>>
    %dma_start3A_21 = arith.constant 0 : i32
    %dma_start3A_22 = tpu.memref_slice %arg5[%dma_start3A, %dma_start3A_15, %dma_start3A_21] : memref<2x10x128xi32, #tpu.memory_space<vmem>> -> memref<1x1x128xi32, #tpu.memory_space<vmem>>
    %dma_start3A_23 = tpu.memref_squeeze %dma_start3A_22 : memref<1x1x128xi32, #tpu.memory_space<vmem>> -> memref<128xi32, #tpu.memory_space<vmem>>
    %dma_start3A_24 = arith.constant 0 : i32
    %dma_start3A_25 = arith.constant 0 : i32
    %dma_start3A_26 = tpu.memref_slice %arg3[%dma_start3A_24, %dma_start3A_25] : memref<1048576x32xf32, #tpu.memory_space<hbm>> -> memref<1048576x32xf32, #tpu.memory_space<hbm>>
    tpu.enqueue_indirect_dma source(%dma_start3A_26 : memref<1048576x32xf32, #tpu.memory_space<hbm>>) target(%dma_start3A_20 : memref<128x32xf32, #tpu.memory_space<vmem>>) offsets(%dma_start3A_23 : memref<128xi32, #tpu.memory_space<vmem>>) semaphore(%arg10 : memref<!tpu.dma_semaphore, #tpu.memory_space<semaphore_mem>>)
    %dma_start3A_27 = arith.constant 0 : i32
    %dma_start3A_28 = arith.constant 1 : i32
    %dma_start3A_29 = arith.constant 0 : i32
    %dma_start3A_30 = arith.constant 128 : i32
    %dma_start3A_31 = arith.constant 0 : i32
    %dma_start3A_32 = tpu.memref_slice %arg6[%dma_start3A_29, %dma_start3A_30, %dma_start3A_31] : memref<2x1280x32xf32, #tpu.memory_space<vmem>> -> memref<1x128x32xf32, #tpu.memory_space<vmem>>
    %dma_start3A_33 = tpu.memref_squeeze %dma_start3A_32 : memref<1x128x32xf32, #tpu.memory_space<vmem>> -> memref<128x32xf32, #tpu.memory_space<vmem>>
    %dma_start3A_34 = arith.constant 0 : i32
    %dma_start3A_35 = tpu.memref_slice %arg5[%dma_start3A_27, %dma_start3A_28, %dma_start3A_34] : memref<2x10x128xi32, #tpu.memory_space<vmem>> -> memref<1x1x128xi32, #tpu.memory_space<vmem>>
    %dma_start3A_36 = tpu.memref_squeeze %dma_start3A_35 : memref<1x1x128xi32, #tpu.memory_space<vmem>> -> memref<128xi32, #tpu.memory_space<vmem>>
    %dma_start3A_37 = arith.constant 0 : i32
    %dma_start3A_38 = arith.constant 0 : i32
    %dma_start3A_39 = tpu.memref_slice %arg3[%dma_start3A_37, %dma_start3A_38] : memref<1048576x32xf32, #tpu.memory_space<hbm>> -> memref<1048576x32xf32, #tpu.memory_space<hbm>>
    tpu.enqueue_indirect_dma source(%dma_start3A_39 : memref<1048576x32xf32, #tpu.memory_space<hbm>>) target(%dma_start3A_33 : memref<128x32xf32, #tpu.memory_space<vmem>>) offsets(%dma_start3A_36 : memref<128xi32, #tpu.memory_space<vmem>>) semaphore(%arg10 : memref<!tpu.dma_semaphore, #tpu.memory_space<semaphore_mem>>)
    %dma_start3A_40 = arith.constant 0 : i32
    %dma_start3A_41 = arith.constant 2 : i32
    %dma_start3A_42 = arith.constant 0 : i32
    %dma_start3A_43 = arith.constant 256 : i32
    %dma_start3A_44 = arith.constant 0 : i32
    %dma_start3A_45 = tpu.memref_slice %arg6[%dma_start3A_42, %dma_start3A_43, %dma_start3A_44] : memref<2x1280x32xf32, #tpu.memory_space<vmem>> -> memref<1x128x32xf32, #tpu.memory_space<vmem>>
    %dma_start3A_46 = tpu.memref_squeeze %dma_start3A_45 : memref<1x128x32xf32, #tpu.memory_space<vmem>> -> memref<128x32xf32, #tpu.memory_space<vmem>>
    %dma_start3A_47 = arith.constant 0 : i32
    %dma_start3A_48 = tpu.memref_slice %arg5[%dma_start3A_40, %dma_start3A_41, %dma_start3A_47] : memref<2x10x128xi32, #tpu.memory_space<vmem>> -> memref<1x1x128xi32, #tpu.memory_space<vmem>>
    %dma_start3A_49 = tpu.memref_squeeze %dma_start3A_48 : memref<1x1x128xi32, #tpu.memory_space<vmem>> -> memref<128xi32, #tpu.memory_space<vmem>>
    %dma_start3A_50 = arith.constant 0 : i32
    %dma_start3A_51 = arith.constant 0 : i32
    %dma_start3A_52 = tpu.memref_slice %arg3[%dma_start3A_50, %dma_start3A_51] : memref<1048576x32xf32, #tpu.memory_space<hbm>> -> memref<1048576x32xf32, #tpu.memory_space<hbm>>
    tpu.enqueue_indirect_dma source(%dma_start3A_52 : memref<1048576x32xf32, #tpu.memory_space<hbm>>) target(%dma_start3A_46 : memref<128x32xf32, #tpu.memory_space<vmem>>) offsets(%dma_start3A_49 : memref<128xi32, #tpu.memory_space<vmem>>) semaphore(%arg10 : memref<!tpu.dma_semaphore, #tpu.memory_space<semaphore_mem>>)
    %dma_start3A_53 = arith.constant 0 : i32
    %dma_start3A_54 = arith.constant 3 : i32
    %dma_start3A_55 = arith.constant 0 : i32
    %dma_start3A_56 = arith.constant 384 : i32
    %dma_start3A_57 = arith.constant 0 : i32
    %dma_start3A_58 = tpu.memref_slice %arg6[%dma_start3A_55, %dma_start3A_56, %dma_start3A_57] : memref<2x1280x32xf32, #tpu.memory_space<vmem>> -> memref<1x128x32xf32, #tpu.memory_space<vmem>>
    %dma_start3A_59 = tpu.memref_squeeze %dma_start3A_58 : memref<1x128x32xf32, #tpu.memory_space<vmem>> -> memref<128x32xf32, #tpu.memory_space<vmem>>
    %dma_start3A_60 = arith.constant 0 : i32
    %dma_start3A_61 = tpu.memref_slice %arg5[%dma_start3A_53, %dma_start3A_54, %dma_start3A_60] : memref<2x10x128xi32, #tpu.memory_space<vmem>> -> memref<1x1x128xi32, #tpu.memory_space<vmem>>
    %dma_start3A_62 = tpu.memref_squeeze %dma_start3A_61 : memref<1x1x128xi32, #tpu.memory_space<vmem>> -> memref<128xi32, #tpu.memory_space<vmem>>
    %dma_start3A_63 = arith.constant 0 : i32
    %dma_start3A_64 = arith.constant 0 : i32
    %dma_start3A_65 = tpu.memref_slice %arg3[%dma_start3A_63, %dma_start3A_64] : memref<1048576x32xf32, #tpu.memory_space<hbm>> -> memref<1048576x32xf32, #tpu.memory_space<hbm>>
    tpu.enqueue_indirect_dma source(%dma_start3A_65 : memref<1048576x32xf32, #tpu.memory_space<hbm>>) target(%dma_start3A_59 : memref<128x32xf32, #tpu.memory_space<vmem>>) offsets(%dma_start3A_62 : memref<128xi32, #tpu.memory_space<vmem>>) semaphore(%arg10 : memref<!tpu.dma_semaphore, #tpu.memory_space<semaphore_mem>>)
    %dma_start3A_66 = arith.constant 0 : i32
    %dma_start3A_67 = arith.constant 4 : i32
    %dma_start3A_68 = arith.constant 0 : i32
    %dma_start3A_69 = arith.constant 512 : i32
    %dma_start3A_70 = arith.constant 0 : i32
    %dma_start3A_71 = tpu.memref_slice %arg6[%dma_start3A_68, %dma_start3A_69, %dma_start3A_70] : memref<2x1280x32xf32, #tpu.memory_space<vmem>> -> memref<1x128x32xf32, #tpu.memory_space<vmem>>
    %dma_start3A_72 = tpu.memref_squeeze %dma_start3A_71 : memref<1x128x32xf32, #tpu.memory_space<vmem>> -> memref<128x32xf32, #tpu.memory_space<vmem>>
    %dma_start3A_73 = arith.constant 0 : i32
    %dma_start3A_74 = tpu.memref_slice %arg5[%dma_start3A_66, %dma_start3A_67, %dma_start3A_73] : memref<2x10x128xi32, #tpu.memory_space<vmem>> -> memref<1x1x128xi32, #tpu.memory_space<vmem>>
    %dma_start3A_75 = tpu.memref_squeeze %dma_start3A_74 : memref<1x1x128xi32, #tpu.memory_space<vmem>> -> memref<128xi32, #tpu.memory_space<vmem>>
    %dma_start3A_76 = arith.constant 0 : i32
    %dma_start3A_77 = arith.constant 0 : i32
    %dma_start3A_78 = tpu.memref_slice %arg3[%dma_start3A_76, %dma_start3A_77] : memref<1048576x32xf32, #tpu.memory_space<hbm>> -> memref<1048576x32xf32, #tpu.memory_space<hbm>>
    tpu.enqueue_indirect_dma source(%dma_start3A_78 : memref<1048576x32xf32, #tpu.memory_space<hbm>>) target(%dma_start3A_72 : memref<128x32xf32, #tpu.memory_space<vmem>>) offsets(%dma_start3A_75 : memref<128xi32, #tpu.memory_space<vmem>>) semaphore(%arg10 : memref<!tpu.dma_semaphore, #tpu.memory_space<semaphore_mem>>)
    %dma_start3A_79 = arith.constant 0 : i32
    %dma_start3A_80 = arith.constant 5 : i32
    %dma_start3A_81 = arith.constant 0 : i32
    %dma_start3A_82 = arith.constant 640 : i32
    %dma_start3A_83 = arith.constant 0 : i32
    %dma_start3A_84 = tpu.memref_slice %arg6[%dma_start3A_81, %dma_start3A_82, %dma_start3A_83] : memref<2x1280x32xf32, #tpu.memory_space<vmem>> -> memref<1x128x32xf32, #tpu.memory_space<vmem>>
    %dma_start3A_85 = tpu.memref_squeeze %dma_start3A_84 : memref<1x128x32xf32, #tpu.memory_space<vmem>> -> memref<128x32xf32, #tpu.memory_space<vmem>>
    %dma_start3A_86 = arith.constant 0 : i32
    %dma_start3A_87 = tpu.memref_slice %arg5[%dma_start3A_79, %dma_start3A_80, %dma_start3A_86] : memref<2x10x128xi32, #tpu.memory_space<vmem>> -> memref<1x1x128xi32, #tpu.memory_space<vmem>>
    %dma_start3A_88 = tpu.memref_squeeze %dma_start3A_87 : memref<1x1x128xi32, #tpu.memory_space<vmem>> -> memref<128xi32, #tpu.memory_space<vmem>>
    %dma_start3A_89 = arith.constant 0 : i32
    %dma_start3A_90 = arith.constant 0 : i32
    %dma_start3A_91 = tpu.memref_slice %arg3[%dma_start3A_89, %dma_start3A_90] : memref<1048576x32xf32, #tpu.memory_space<hbm>> -> memref<1048576x32xf32, #tpu.memory_space<hbm>>
    tpu.enqueue_indirect_dma source(%dma_start3A_91 : memref<1048576x32xf32, #tpu.memory_space<hbm>>) target(%dma_start3A_85 : memref<128x32xf32, #tpu.memory_space<vmem>>) offsets(%dma_start3A_88 : memref<128xi32, #tpu.memory_space<vmem>>) semaphore(%arg10 : memref<!tpu.dma_semaphore, #tpu.memory_space<semaphore_mem>>)
    %dma_start3A_92 = arith.constant 0 : i32
    %dma_start3A_93 = arith.constant 6 : i32
    %dma_start3A_94 = arith.constant 0 : i32
    %dma_start3A_95 = arith.constant 768 : i32
    %dma_start3A_96 = arith.constant 0 : i32
    %dma_start3A_97 = tpu.memref_slice %arg6[%dma_start3A_94, %dma_start3A_95, %dma_start3A_96] : memref<2x1280x32xf32, #tpu.memory_space<vmem>> -> memref<1x128x32xf32, #tpu.memory_space<vmem>>
    %dma_start3A_98 = tpu.memref_squeeze %dma_start3A_97 : memref<1x128x32xf32, #tpu.memory_space<vmem>> -> memref<128x32xf32, #tpu.memory_space<vmem>>
    %dma_start3A_99 = arith.constant 0 : i32
    %dma_start3A_100 = tpu.memref_slice %arg5[%dma_start3A_92, %dma_start3A_93, %dma_start3A_99] : memref<2x10x128xi32, #tpu.memory_space<vmem>> -> memref<1x1x128xi32, #tpu.memory_space<vmem>>
    %dma_start3A_101 = tpu.memref_squeeze %dma_start3A_100 : memref<1x1x128xi32, #tpu.memory_space<vmem>> -> memref<128xi32, #tpu.memory_space<vmem>>
    %dma_start3A_102 = arith.constant 0 : i32
    %dma_start3A_103 = arith.constant 0 : i32
    %dma_start3A_104 = tpu.memref_slice %arg3[%dma_start3A_102, %dma_start3A_103] : memref<1048576x32xf32, #tpu.memory_space<hbm>> -> memref<1048576x32xf32, #tpu.memory_space<hbm>>
    tpu.enqueue_indirect_dma source(%dma_start3A_104 : memref<1048576x32xf32, #tpu.memory_space<hbm>>) target(%dma_start3A_98 : memref<128x32xf32, #tpu.memory_space<vmem>>) offsets(%dma_start3A_101 : memref<128xi32, #tpu.memory_space<vmem>>) semaphore(%arg10 : memref<!tpu.dma_semaphore, #tpu.memory_space<semaphore_mem>>)
    %dma_start3A_105 = arith.constant 0 : i32
    %dma_start3A_106 = arith.constant 7 : i32
    %dma_start3A_107 = arith.constant 0 : i32
    %dma_start3A_108 = arith.constant 896 : i32
    %dma_start3A_109 = arith.constant 0 : i32
    %dma_start3A_110 = tpu.memref_slice %arg6[%dma_start3A_107, %dma_start3A_108, %dma_start3A_109] : memref<2x1280x32xf32, #tpu.memory_space<vmem>> -> memref<1x128x32xf32, #tpu.memory_space<vmem>>
    %dma_start3A_111 = tpu.memref_squeeze %dma_start3A_110 : memref<1x128x32xf32, #tpu.memory_space<vmem>> -> memref<128x32xf32, #tpu.memory_space<vmem>>
    %dma_start3A_112 = arith.constant 0 : i32
    %dma_start3A_113 = tpu.memref_slice %arg5[%dma_start3A_105, %dma_start3A_106, %dma_start3A_112] : memref<2x10x128xi32, #tpu.memory_space<vmem>> -> memref<1x1x128xi32, #tpu.memory_space<vmem>>
    %dma_start3A_114 = tpu.memref_squeeze %dma_start3A_113 : memref<1x1x128xi32, #tpu.memory_space<vmem>> -> memref<128xi32, #tpu.memory_space<vmem>>
    %dma_start3A_115 = arith.constant 0 : i32
    %dma_start3A_116 = arith.constant 0 : i32
    %dma_start3A_117 = tpu.memref_slice %arg3[%dma_start3A_115, %dma_start3A_116] : memref<1048576x32xf32, #tpu.memory_space<hbm>> -> memref<1048576x32xf32, #tpu.memory_space<hbm>>
    tpu.enqueue_indirect_dma source(%dma_start3A_117 : memref<1048576x32xf32, #tpu.memory_space<hbm>>) target(%dma_start3A_111 : memref<128x32xf32, #tpu.memory_space<vmem>>) offsets(%dma_start3A_114 : memref<128xi32, #tpu.memory_space<vmem>>) semaphore(%arg10 : memref<!tpu.dma_semaphore, #tpu.memory_space<semaphore_mem>>)
    %dma_start3A_118 = arith.constant 0 : i32
    %dma_start3A_119 = arith.constant 8 : i32
    %dma_start3A_120 = arith.constant 0 : i32
    %dma_start3A_121 = arith.constant 1024 : i32
    %dma_start3A_122 = arith.constant 0 : i32
    %dma_start3A_123 = tpu.memref_slice %arg6[%dma_start3A_120, %dma_start3A_121, %dma_start3A_122] : memref<2x1280x32xf32, #tpu.memory_space<vmem>> -> memref<1x128x32xf32, #tpu.memory_space<vmem>>
    %dma_start3A_124 = tpu.memref_squeeze %dma_start3A_123 : memref<1x128x32xf32, #tpu.memory_space<vmem>> -> memref<128x32xf32, #tpu.memory_space<vmem>>
    %dma_start3A_125 = arith.constant 0 : i32
    %dma_start3A_126 = tpu.memref_slice %arg5[%dma_start3A_118, %dma_start3A_119, %dma_start3A_125] : memref<2x10x128xi32, #tpu.memory_space<vmem>> -> memref<1x1x128xi32, #tpu.memory_space<vmem>>
    %dma_start3A_127 = tpu.memref_squeeze %dma_start3A_126 : memref<1x1x128xi32, #tpu.memory_space<vmem>> -> memref<128xi32, #tpu.memory_space<vmem>>
    %dma_start3A_128 = arith.constant 0 : i32
    %dma_start3A_129 = arith.constant 0 : i32
    %dma_start3A_130 = tpu.memref_slice %arg3[%dma_start3A_128, %dma_start3A_129] : memref<1048576x32xf32, #tpu.memory_space<hbm>> -> memref<1048576x32xf32, #tpu.memory_space<hbm>>
    tpu.enqueue_indirect_dma source(%dma_start3A_130 : memref<1048576x32xf32, #tpu.memory_space<hbm>>) target(%dma_start3A_124 : memref<128x32xf32, #tpu.memory_space<vmem>>) offsets(%dma_start3A_127 : memref<128xi32, #tpu.memory_space<vmem>>) semaphore(%arg10 : memref<!tpu.dma_semaphore, #tpu.memory_space<semaphore_mem>>)
    %dma_start3A_131 = arith.constant 0 : i32
    %dma_start3A_132 = arith.constant 9 : i32
    %dma_start3A_133 = arith.constant 0 : i32
    %dma_start3A_134 = arith.constant 1152 : i32
    %dma_start3A_135 = arith.constant 0 : i32
    %dma_start3A_136 = tpu.memref_slice %arg6[%dma_start3A_133, %dma_start3A_134, %dma_start3A_135] : memref<2x1280x32xf32, #tpu.memory_space<vmem>> -> memref<1x128x32xf32, #tpu.memory_space<vmem>>
    %dma_start3A_137 = tpu.memref_squeeze %dma_start3A_136 : memref<1x128x32xf32, #tpu.memory_space<vmem>> -> memref<128x32xf32, #tpu.memory_space<vmem>>
    %dma_start3A_138 = arith.constant 0 : i32
    %dma_start3A_139 = tpu.memref_slice %arg5[%dma_start3A_131, %dma_start3A_132, %dma_start3A_138] : memref<2x10x128xi32, #tpu.memory_space<vmem>> -> memref<1x1x128xi32, #tpu.memory_space<vmem>>
    %dma_start3A_140 = tpu.memref_squeeze %dma_start3A_139 : memref<1x1x128xi32, #tpu.memory_space<vmem>> -> memref<128xi32, #tpu.memory_space<vmem>>
    %dma_start3A_141 = arith.constant 0 : i32
    %dma_start3A_142 = arith.constant 0 : i32
    %dma_start3A_143 = tpu.memref_slice %arg3[%dma_start3A_141, %dma_start3A_142] : memref<1048576x32xf32, #tpu.memory_space<hbm>> -> memref<1048576x32xf32, #tpu.memory_space<hbm>>
    tpu.enqueue_indirect_dma source(%dma_start3A_143 : memref<1048576x32xf32, #tpu.memory_space<hbm>>) target(%dma_start3A_137 : memref<128x32xf32, #tpu.memory_space<vmem>>) offsets(%dma_start3A_140 : memref<128xi32, #tpu.memory_space<vmem>>) semaphore(%arg10 : memref<!tpu.dma_semaphore, #tpu.memory_space<semaphore_mem>>)
    %scan3A_144 = arith.constant 0 : i32
    %scan3A_145 = arith.constant 10 : i32
    %scan3A_146 = arith.addi %scan3A_144, %scan3A_145 : i32
    %scan3A_147 = arith.constant 1 : i32
    scf.for %scan3A_155 = %scan3A_144 to %scan3A_146 step %scan3A_147  : i32 {
      %mul3A_156 = arith.constant 2 : i32
      %mul3A_157 = arith.muli %mul3A_156, %scan3A_155 : i32
      %add3A_158 = arith.constant 1 : i32
      %add3A_159 = arith.addi %mul3A_157, %add3A_158 : i32
      %lt3A = arith.constant 20 : i32
      %lt3A_160 = arith.cmpi slt, %add3A_159, %lt3A : i32
      %convert_element_type3A = arith.extui %lt3A_160 : i1 to i32
      %cond3A = arith.constant 0 : i32
      %cond3A_161 = arith.cmpi ne, %convert_element_type3A, %cond3A : i32
      scf.if %cond3A_161 {
        %add3A_191 = arith.constant 1 : i32
        %add3A_192 = arith.addi %mul3A_157, %add3A_191 : i32
        %mul3A_193 = arith.constant 10 : i32
        %mul3A_194 = arith.muli %add3A_192, %mul3A_193 : i32
        %run_scoped3A_195 = arith.constant 1 : i32
        "tpu.region"() ({
          %run_scoped3A_326 = tpu.sem_alloc : memref<!tpu.dma_semaphore, #tpu.memory_space<semaphore_mem>>
          %dma_start3A_327 = arith.constant 0 : i32
          %dma_start3A_328 = arith.constant 0 : i32
          %dma_start3A_329 = tpu.memref_slice %arg5[%run_scoped3A_195, %dma_start3A_327, %dma_start3A_328] : memref<2x10x128xi32, #tpu.memory_space<vmem>> -> memref<1x10x128xi32, #tpu.memory_space<vmem>>
          %dma_start3A_330 = tpu.memref_squeeze %dma_start3A_329 : memref<1x10x128xi32, #tpu.memory_space<vmem>> -> memref<10x128xi32, #tpu.memory_space<vmem>>
          %dma_start3A_331 = tpu.memref_slice %arg2[%mul3A_194, %mul3A_2] : memref<200x4096xi32, #tpu.memory_space<hbm>> -> memref<10x128xi32, #tpu.memory_space<hbm>>
          %dma_start3A_332 = arith.constant 0 : i32
          %dma_start3A_333 = arith.constant 0 : i32
          %dma_start3A_334 = tpu.memref_slice %arg5[%run_scoped3A_195, %dma_start3A_332, %dma_start3A_333] : memref<2x10x128xi32, #tpu.memory_space<vmem>> -> memref<1x10x128xi32, #tpu.memory_space<vmem>>
          %dma_start3A_335 = tpu.memref_squeeze %dma_start3A_334 : memref<1x10x128xi32, #tpu.memory_space<vmem>> -> memref<10x128xi32, #tpu.memory_space<vmem>>
          %dma_start3A_336 = tpu.memref_slice %arg2[%mul3A_194, %mul3A_2] : memref<200x4096xi32, #tpu.memory_space<hbm>> -> memref<10x128xi32, #tpu.memory_space<hbm>>
          tpu.enqueue_dma source(%dma_start3A_336 : memref<10x128xi32, #tpu.memory_space<hbm>>) target(%dma_start3A_335 : memref<10x128xi32, #tpu.memory_space<vmem>>) target_semaphore(%run_scoped3A_326 : memref<!tpu.dma_semaphore, #tpu.memory_space<semaphore_mem>>)
          %dma_wait3A_337 = arith.constant 0 : i32
          %dma_wait3A_338 = arith.constant 0 : i32
          %dma_wait3A_339 = tpu.memref_slice %arg5[%run_scoped3A_195, %dma_wait3A_337, %dma_wait3A_338] : memref<2x10x128xi32, #tpu.memory_space<vmem>> -> memref<1x10x128xi32, #tpu.memory_space<vmem>>
          %dma_wait3A_340 = tpu.memref_squeeze %dma_wait3A_339 : memref<1x10x128xi32, #tpu.memory_space<vmem>> -> memref<10x128xi32, #tpu.memory_space<vmem>>
          %dma_wait3A_341 = tpu.memref_slice %arg2[%mul3A_194, %mul3A_2] : memref<200x4096xi32, #tpu.memory_space<hbm>> -> memref<10x128xi32, #tpu.memory_space<hbm>>
          %dma_wait3A_342 = arith.constant 0 : i32
          %dma_wait3A_343 = arith.constant 0 : i32
          %dma_wait3A_344 = tpu.memref_slice %arg5[%run_scoped3A_195, %dma_wait3A_342, %dma_wait3A_343] : memref<2x10x128xi32, #tpu.memory_space<vmem>> -> memref<1x10x128xi32, #tpu.memory_space<vmem>>
          %dma_wait3A_345 = tpu.memref_squeeze %dma_wait3A_344 : memref<1x10x128xi32, #tpu.memory_space<vmem>> -> memref<10x128xi32, #tpu.memory_space<vmem>>
          %dma_wait3A_346 = tpu.memref_slice %arg2[%mul3A_194, %mul3A_2] : memref<200x4096xi32, #tpu.memory_space<hbm>> -> memref<10x128xi32, #tpu.memory_space<hbm>>
          tpu.wait_dma2 semaphore(%run_scoped3A_326 : memref<!tpu.dma_semaphore, #tpu.memory_space<semaphore_mem>>) src(%dma_wait3A_346 : memref<10x128xi32, #tpu.memory_space<hbm>>) dst(%dma_wait3A_345 : memref<10x128xi32, #tpu.memory_space<vmem>>)
          tpu.yield
        }) : () -> ()
        %dma_start3A_196 = arith.constant 1 : i32
        %dma_start3A_197 = arith.constant 0 : i32
        %dma_start3A_198 = arith.constant 1 : i32
        %dma_start3A_199 = arith.constant 0 : i32
        %dma_start3A_200 = arith.constant 0 : i32
        %dma_start3A_201 = tpu.memref_slice %arg6[%dma_start3A_198, %dma_start3A_199, %dma_start3A_200] : memref<2x1280x32xf32, #tpu.memory_space<vmem>> -> memref<1x128x32xf32, #tpu.memory_space<vmem>>
        %dma_start3A_202 = tpu.memref_squeeze %dma_start3A_201 : memref<1x128x32xf32, #tpu.memory_space<vmem>> -> memref<128x32xf32, #tpu.memory_space<vmem>>
        %dma_start3A_203 = arith.constant 0 : i32
        %dma_start3A_204 = tpu.memref_slice %arg5[%dma_start3A_196, %dma_start3A_197, %dma_start3A_203] : memref<2x10x128xi32, #tpu.memory_space<vmem>> -> memref<1x1x128xi32, #tpu.memory_space<vmem>>
        %dma_start3A_205 = tpu.memref_squeeze %dma_start3A_204 : memref<1x1x128xi32, #tpu.memory_space<vmem>> -> memref<128xi32, #tpu.memory_space<vmem>>
        %dma_start3A_206 = arith.constant 0 : i32
        %dma_start3A_207 = arith.constant 0 : i32
        %dma_start3A_208 = tpu.memref_slice %arg3[%dma_start3A_206, %dma_start3A_207] : memref<1048576x32xf32, #tpu.memory_space<hbm>> -> memref<1048576x32xf32, #tpu.memory_space<hbm>>
        tpu.enqueue_indirect_dma source(%dma_start3A_208 : memref<1048576x32xf32, #tpu.memory_space<hbm>>) target(%dma_start3A_202 : memref<128x32xf32, #tpu.memory_space<vmem>>) offsets(%dma_start3A_205 : memref<128xi32, #tpu.memory_space<vmem>>) semaphore(%arg11 : memref<!tpu.dma_semaphore, #tpu.memory_space<semaphore_mem>>)
        %dma_start3A_209 = arith.constant 1 : i32
        %dma_start3A_210 = arith.constant 1 : i32
        %dma_start3A_211 = arith.constant 1 : i32
        %dma_start3A_212 = arith.constant 128 : i32
        %dma_start3A_213 = arith.constant 0 : i32
        %dma_start3A_214 = tpu.memref_slice %arg6[%dma_start3A_211, %dma_start3A_212, %dma_start3A_213] : memref<2x1280x32xf32, #tpu.memory_space<vmem>> -> memref<1x128x32xf32, #tpu.memory_space<vmem>>
        %dma_start3A_215 = tpu.memref_squeeze %dma_start3A_214 : memref<1x128x32xf32, #tpu.memory_space<vmem>> -> memref<128x32xf32, #tpu.memory_space<vmem>>
        %dma_start3A_216 = arith.constant 0 : i32
        %dma_start3A_217 = tpu.memref_slice %arg5[%dma_start3A_209, %dma_start3A_210, %dma_start3A_216] : memref<2x10x128xi32, #tpu.memory_space<vmem>> -> memref<1x1x128xi32, #tpu.memory_space<vmem>>
        %dma_start3A_218 = tpu.memref_squeeze %dma_start3A_217 : memref<1x1x128xi32, #tpu.memory_space<vmem>> -> memref<128xi32, #tpu.memory_space<vmem>>
        %dma_start3A_219 = arith.constant 0 : i32
        %dma_start3A_220 = arith.constant 0 : i32
        %dma_start3A_221 = tpu.memref_slice %arg3[%dma_start3A_219, %dma_start3A_220] : memref<1048576x32xf32, #tpu.memory_space<hbm>> -> memref<1048576x32xf32, #tpu.memory_space<hbm>>
        tpu.enqueue_indirect_dma source(%dma_start3A_221 : memref<1048576x32xf32, #tpu.memory_space<hbm>>) target(%dma_start3A_215 : memref<128x32xf32, #tpu.memory_space<vmem>>) offsets(%dma_start3A_218 : memref<128xi32, #tpu.memory_space<vmem>>) semaphore(%arg11 : memref<!tpu.dma_semaphore, #tpu.memory_space<semaphore_mem>>)
        %dma_start3A_222 = arith.constant 1 : i32
        %dma_start3A_223 = arith.constant 2 : i32
        %dma_start3A_224 = arith.constant 1 : i32
        %dma_start3A_225 = arith.constant 256 : i32
        %dma_start3A_226 = arith.constant 0 : i32
        %dma_start3A_227 = tpu.memref_slice %arg6[%dma_start3A_224, %dma_start3A_225, %dma_start3A_226] : memref<2x1280x32xf32, #tpu.memory_space<vmem>> -> memref<1x128x32xf32, #tpu.memory_space<vmem>>
        %dma_start3A_228 = tpu.memref_squeeze %dma_start3A_227 : memref<1x128x32xf32, #tpu.memory_space<vmem>> -> memref<128x32xf32, #tpu.memory_space<vmem>>
        %dma_start3A_229 = arith.constant 0 : i32
        %dma_start3A_230 = tpu.memref_slice %arg5[%dma_start3A_222, %dma_start3A_223, %dma_start3A_229] : memref<2x10x128xi32, #tpu.memory_space<vmem>> -> memref<1x1x128xi32, #tpu.memory_space<vmem>>
        %dma_start3A_231 = tpu.memref_squeeze %dma_start3A_230 : memref<1x1x128xi32, #tpu.memory_space<vmem>> -> memref<128xi32, #tpu.memory_space<vmem>>
        %dma_start3A_232 = arith.constant 0 : i32
        %dma_start3A_233 = arith.constant 0 : i32
        %dma_start3A_234 = tpu.memref_slice %arg3[%dma_start3A_232, %dma_start3A_233] : memref<1048576x32xf32, #tpu.memory_space<hbm>> -> memref<1048576x32xf32, #tpu.memory_space<hbm>>
        tpu.enqueue_indirect_dma source(%dma_start3A_234 : memref<1048576x32xf32, #tpu.memory_space<hbm>>) target(%dma_start3A_228 : memref<128x32xf32, #tpu.memory_space<vmem>>) offsets(%dma_start3A_231 : memref<128xi32, #tpu.memory_space<vmem>>) semaphore(%arg11 : memref<!tpu.dma_semaphore, #tpu.memory_space<semaphore_mem>>)
        %dma_start3A_235 = arith.constant 1 : i32
        %dma_start3A_236 = arith.constant 3 : i32
        %dma_start3A_237 = arith.constant 1 : i32
        %dma_start3A_238 = arith.constant 384 : i32
        %dma_start3A_239 = arith.constant 0 : i32
        %dma_start3A_240 = tpu.memref_slice %arg6[%dma_start3A_237, %dma_start3A_238, %dma_start3A_239] : memref<2x1280x32xf32, #tpu.memory_space<vmem>> -> memref<1x128x32xf32, #tpu.memory_space<vmem>>
        %dma_start3A_241 = tpu.memref_squeeze %dma_start3A_240 : memref<1x128x32xf32, #tpu.memory_space<vmem>> -> memref<128x32xf32, #tpu.memory_space<vmem>>
        %dma_start3A_242 = arith.constant 0 : i32
        %dma_start3A_243 = tpu.memref_slice %arg5[%dma_start3A_235, %dma_start3A_236, %dma_start3A_242] : memref<2x10x128xi32, #tpu.memory_space<vmem>> -> memref<1x1x128xi32, #tpu.memory_space<vmem>>
        %dma_start3A_244 = tpu.memref_squeeze %dma_start3A_243 : memref<1x1x128xi32, #tpu.memory_space<vmem>> -> memref<128xi32, #tpu.memory_space<vmem>>
        %dma_start3A_245 = arith.constant 0 : i32
        %dma_start3A_246 = arith.constant 0 : i32
        %dma_start3A_247 = tpu.memref_slice %arg3[%dma_start3A_245, %dma_start3A_246] : memref<1048576x32xf32, #tpu.memory_space<hbm>> -> memref<1048576x32xf32, #tpu.memory_space<hbm>>
        tpu.enqueue_indirect_dma source(%dma_start3A_247 : memref<1048576x32xf32, #tpu.memory_space<hbm>>) target(%dma_start3A_241 : memref<128x32xf32, #tpu.memory_space<vmem>>) offsets(%dma_start3A_244 : memref<128xi32, #tpu.memory_space<vmem>>) semaphore(%arg11 : memref<!tpu.dma_semaphore, #tpu.memory_space<semaphore_mem>>)
        %dma_start3A_248 = arith.constant 1 : i32
        %dma_start3A_249 = arith.constant 4 : i32
        %dma_start3A_250 = arith.constant 1 : i32
        %dma_start3A_251 = arith.constant 512 : i32
        %dma_start3A_252 = arith.constant 0 : i32
        %dma_start3A_253 = tpu.memref_slice %arg6[%dma_start3A_250, %dma_start3A_251, %dma_start3A_252] : memref<2x1280x32xf32, #tpu.memory_space<vmem>> -> memref<1x128x32xf32, #tpu.memory_space<vmem>>
        %dma_start3A_254 = tpu.memref_squeeze %dma_start3A_253 : memref<1x128x32xf32, #tpu.memory_space<vmem>> -> memref<128x32xf32, #tpu.memory_space<vmem>>
        %dma_start3A_255 = arith.constant 0 : i32
        %dma_start3A_256 = tpu.memref_slice %arg5[%dma_start3A_248, %dma_start3A_249, %dma_start3A_255] : memref<2x10x128xi32, #tpu.memory_space<vmem>> -> memref<1x1x128xi32, #tpu.memory_space<vmem>>
        %dma_start3A_257 = tpu.memref_squeeze %dma_start3A_256 : memref<1x1x128xi32, #tpu.memory_space<vmem>> -> memref<128xi32, #tpu.memory_space<vmem>>
        %dma_start3A_258 = arith.constant 0 : i32
        %dma_start3A_259 = arith.constant 0 : i32
        %dma_start3A_260 = tpu.memref_slice %arg3[%dma_start3A_258, %dma_start3A_259] : memref<1048576x32xf32, #tpu.memory_space<hbm>> -> memref<1048576x32xf32, #tpu.memory_space<hbm>>
        tpu.enqueue_indirect_dma source(%dma_start3A_260 : memref<1048576x32xf32, #tpu.memory_space<hbm>>) target(%dma_start3A_254 : memref<128x32xf32, #tpu.memory_space<vmem>>) offsets(%dma_start3A_257 : memref<128xi32, #tpu.memory_space<vmem>>) semaphore(%arg11 : memref<!tpu.dma_semaphore, #tpu.memory_space<semaphore_mem>>)
        %dma_start3A_261 = arith.constant 1 : i32
        %dma_start3A_262 = arith.constant 5 : i32
        %dma_start3A_263 = arith.constant 1 : i32
        %dma_start3A_264 = arith.constant 640 : i32
        %dma_start3A_265 = arith.constant 0 : i32
        %dma_start3A_266 = tpu.memref_slice %arg6[%dma_start3A_263, %dma_start3A_264, %dma_start3A_265] : memref<2x1280x32xf32, #tpu.memory_space<vmem>> -> memref<1x128x32xf32, #tpu.memory_space<vmem>>
        %dma_start3A_267 = tpu.memref_squeeze %dma_start3A_266 : memref<1x128x32xf32, #tpu.memory_space<vmem>> -> memref<128x32xf32, #tpu.memory_space<vmem>>
        %dma_start3A_268 = arith.constant 0 : i32
        %dma_start3A_269 = tpu.memref_slice %arg5[%dma_start3A_261, %dma_start3A_262, %dma_start3A_268] : memref<2x10x128xi32, #tpu.memory_space<vmem>> -> memref<1x1x128xi32, #tpu.memory_space<vmem>>
        %dma_start3A_270 = tpu.memref_squeeze %dma_start3A_269 : memref<1x1x128xi32, #tpu.memory_space<vmem>> -> memref<128xi32, #tpu.memory_space<vmem>>
        %dma_start3A_271 = arith.constant 0 : i32
        %dma_start3A_272 = arith.constant 0 : i32
        %dma_start3A_273 = tpu.memref_slice %arg3[%dma_start3A_271, %dma_start3A_272] : memref<1048576x32xf32, #tpu.memory_space<hbm>> -> memref<1048576x32xf32, #tpu.memory_space<hbm>>
        tpu.enqueue_indirect_dma source(%dma_start3A_273 : memref<1048576x32xf32, #tpu.memory_space<hbm>>) target(%dma_start3A_267 : memref<128x32xf32, #tpu.memory_space<vmem>>) offsets(%dma_start3A_270 : memref<128xi32, #tpu.memory_space<vmem>>) semaphore(%arg11 : memref<!tpu.dma_semaphore, #tpu.memory_space<semaphore_mem>>)
        %dma_start3A_274 = arith.constant 1 : i32
        %dma_start3A_275 = arith.constant 6 : i32
        %dma_start3A_276 = arith.constant 1 : i32
        %dma_start3A_277 = arith.constant 768 : i32
        %dma_start3A_278 = arith.constant 0 : i32
        %dma_start3A_279 = tpu.memref_slice %arg6[%dma_start3A_276, %dma_start3A_277, %dma_start3A_278] : memref<2x1280x32xf32, #tpu.memory_space<vmem>> -> memref<1x128x32xf32, #tpu.memory_space<vmem>>
        %dma_start3A_280 = tpu.memref_squeeze %dma_start3A_279 : memref<1x128x32xf32, #tpu.memory_space<vmem>> -> memref<128x32xf32, #tpu.memory_space<vmem>>
        %dma_start3A_281 = arith.constant 0 : i32
        %dma_start3A_282 = tpu.memref_slice %arg5[%dma_start3A_274, %dma_start3A_275, %dma_start3A_281] : memref<2x10x128xi32, #tpu.memory_space<vmem>> -> memref<1x1x128xi32, #tpu.memory_space<vmem>>
        %dma_start3A_283 = tpu.memref_squeeze %dma_start3A_282 : memref<1x1x128xi32, #tpu.memory_space<vmem>> -> memref<128xi32, #tpu.memory_space<vmem>>
        %dma_start3A_284 = arith.constant 0 : i32
        %dma_start3A_285 = arith.constant 0 : i32
        %dma_start3A_286 = tpu.memref_slice %arg3[%dma_start3A_284, %dma_start3A_285] : memref<1048576x32xf32, #tpu.memory_space<hbm>> -> memref<1048576x32xf32, #tpu.memory_space<hbm>>
        tpu.enqueue_indirect_dma source(%dma_start3A_286 : memref<1048576x32xf32, #tpu.memory_space<hbm>>) target(%dma_start3A_280 : memref<128x32xf32, #tpu.memory_space<vmem>>) offsets(%dma_start3A_283 : memref<128xi32, #tpu.memory_space<vmem>>) semaphore(%arg11 : memref<!tpu.dma_semaphore, #tpu.memory_space<semaphore_mem>>)
        %dma_start3A_287 = arith.constant 1 : i32
        %dma_start3A_288 = arith.constant 7 : i32
        %dma_start3A_289 = arith.constant 1 : i32
        %dma_start3A_290 = arith.constant 896 : i32
        %dma_start3A_291 = arith.constant 0 : i32
        %dma_start3A_292 = tpu.memref_slice %arg6[%dma_start3A_289, %dma_start3A_290, %dma_start3A_291] : memref<2x1280x32xf32, #tpu.memory_space<vmem>> -> memref<1x128x32xf32, #tpu.memory_space<vmem>>
        %dma_start3A_293 = tpu.memref_squeeze %dma_start3A_292 : memref<1x128x32xf32, #tpu.memory_space<vmem>> -> memref<128x32xf32, #tpu.memory_space<vmem>>
        %dma_start3A_294 = arith.constant 0 : i32
        %dma_start3A_295 = tpu.memref_slice %arg5[%dma_start3A_287, %dma_start3A_288, %dma_start3A_294] : memref<2x10x128xi32, #tpu.memory_space<vmem>> -> memref<1x1x128xi32, #tpu.memory_space<vmem>>
        %dma_start3A_296 = tpu.memref_squeeze %dma_start3A_295 : memref<1x1x128xi32, #tpu.memory_space<vmem>> -> memref<128xi32, #tpu.memory_space<vmem>>
        %dma_start3A_297 = arith.constant 0 : i32
        %dma_start3A_298 = arith.constant 0 : i32
        %dma_start3A_299 = tpu.memref_slice %arg3[%dma_start3A_297, %dma_start3A_298] : memref<1048576x32xf32, #tpu.memory_space<hbm>> -> memref<1048576x32xf32, #tpu.memory_space<hbm>>
        tpu.enqueue_indirect_dma source(%dma_start3A_299 : memref<1048576x32xf32, #tpu.memory_space<hbm>>) target(%dma_start3A_293 : memref<128x32xf32, #tpu.memory_space<vmem>>) offsets(%dma_start3A_296 : memref<128xi32, #tpu.memory_space<vmem>>) semaphore(%arg11 : memref<!tpu.dma_semaphore, #tpu.memory_space<semaphore_mem>>)
        %dma_start3A_300 = arith.constant 1 : i32
        %dma_start3A_301 = arith.constant 8 : i32
        %dma_start3A_302 = arith.constant 1 : i32
        %dma_start3A_303 = arith.constant 1024 : i32
        %dma_start3A_304 = arith.constant 0 : i32
        %dma_start3A_305 = tpu.memref_slice %arg6[%dma_start3A_302, %dma_start3A_303, %dma_start3A_304] : memref<2x1280x32xf32, #tpu.memory_space<vmem>> -> memref<1x128x32xf32, #tpu.memory_space<vmem>>
        %dma_start3A_306 = tpu.memref_squeeze %dma_start3A_305 : memref<1x128x32xf32, #tpu.memory_space<vmem>> -> memref<128x32xf32, #tpu.memory_space<vmem>>
        %dma_start3A_307 = arith.constant 0 : i32
        %dma_start3A_308 = tpu.memref_slice %arg5[%dma_start3A_300, %dma_start3A_301, %dma_start3A_307] : memref<2x10x128xi32, #tpu.memory_space<vmem>> -> memref<1x1x128xi32, #tpu.memory_space<vmem>>
        %dma_start3A_309 = tpu.memref_squeeze %dma_start3A_308 : memref<1x1x128xi32, #tpu.memory_space<vmem>> -> memref<128xi32, #tpu.memory_space<vmem>>
        %dma_start3A_310 = arith.constant 0 : i32
        %dma_start3A_311 = arith.constant 0 : i32
        %dma_start3A_312 = tpu.memref_slice %arg3[%dma_start3A_310, %dma_start3A_311] : memref<1048576x32xf32, #tpu.memory_space<hbm>> -> memref<1048576x32xf32, #tpu.memory_space<hbm>>
        tpu.enqueue_indirect_dma source(%dma_start3A_312 : memref<1048576x32xf32, #tpu.memory_space<hbm>>) target(%dma_start3A_306 : memref<128x32xf32, #tpu.memory_space<vmem>>) offsets(%dma_start3A_309 : memref<128xi32, #tpu.memory_space<vmem>>) semaphore(%arg11 : memref<!tpu.dma_semaphore, #tpu.memory_space<semaphore_mem>>)
        %dma_start3A_313 = arith.constant 1 : i32
        %dma_start3A_314 = arith.constant 9 : i32
        %dma_start3A_315 = arith.constant 1 : i32
        %dma_start3A_316 = arith.constant 1152 : i32
        %dma_start3A_317 = arith.constant 0 : i32
        %dma_start3A_318 = tpu.memref_slice %arg6[%dma_start3A_315, %dma_start3A_316, %dma_start3A_317] : memref<2x1280x32xf32, #tpu.memory_space<vmem>> -> memref<1x128x32xf32, #tpu.memory_space<vmem>>
        %dma_start3A_319 = tpu.memref_squeeze %dma_start3A_318 : memref<1x128x32xf32, #tpu.memory_space<vmem>> -> memref<128x32xf32, #tpu.memory_space<vmem>>
        %dma_start3A_320 = arith.constant 0 : i32
        %dma_start3A_321 = tpu.memref_slice %arg5[%dma_start3A_313, %dma_start3A_314, %dma_start3A_320] : memref<2x10x128xi32, #tpu.memory_space<vmem>> -> memref<1x1x128xi32, #tpu.memory_space<vmem>>
        %dma_start3A_322 = tpu.memref_squeeze %dma_start3A_321 : memref<1x1x128xi32, #tpu.memory_space<vmem>> -> memref<128xi32, #tpu.memory_space<vmem>>
        %dma_start3A_323 = arith.constant 0 : i32
        %dma_start3A_324 = arith.constant 0 : i32
        %dma_start3A_325 = tpu.memref_slice %arg3[%dma_start3A_323, %dma_start3A_324] : memref<1048576x32xf32, #tpu.memory_space<hbm>> -> memref<1048576x32xf32, #tpu.memory_space<hbm>>
        tpu.enqueue_indirect_dma source(%dma_start3A_325 : memref<1048576x32xf32, #tpu.memory_space<hbm>>) target(%dma_start3A_319 : memref<128x32xf32, #tpu.memory_space<vmem>>) offsets(%dma_start3A_322 : memref<128xi32, #tpu.memory_space<vmem>>) semaphore(%arg11 : memref<!tpu.dma_semaphore, #tpu.memory_space<semaphore_mem>>)
      } else {
      }
      %dma_wait3A = arith.constant 0 : i32
      %dma_wait3A_162 = arith.constant 0 : i32
      %dma_wait3A_163 = arith.constant 0 : i32
      %dma_wait3A_164 = tpu.memref_slice %arg6[%dma_wait3A, %dma_wait3A_162, %dma_wait3A_163] : memref<2x1280x32xf32, #tpu.memory_space<vmem>> -> memref<1x1280x32xf32, #tpu.memory_space<vmem>>
      %dma_wait3A_165 = tpu.memref_squeeze %dma_wait3A_164 : memref<1x1280x32xf32, #tpu.memory_space<vmem>> -> memref<1280x32xf32, #tpu.memory_space<vmem>>
      %dma_wait3A_166 = arith.constant 0 : i32
      %dma_wait3A_167 = arith.constant 0 : i32
      %dma_wait3A_168 = tpu.memref_slice %arg3[%dma_wait3A_166, %dma_wait3A_167] : memref<1048576x32xf32, #tpu.memory_space<hbm>> -> memref<1280x32xf32, #tpu.memory_space<hbm>>
      %dma_wait3A_169 = arith.constant 0 : i32
      %dma_wait3A_170 = arith.constant 0 : i32
      %dma_wait3A_171 = tpu.memref_slice %arg6[%dma_wait3A, %dma_wait3A_169, %dma_wait3A_170] : memref<2x1280x32xf32, #tpu.memory_space<vmem>> -> memref<1x1280x32xf32, #tpu.memory_space<vmem>>
      %dma_wait3A_172 = tpu.memref_squeeze %dma_wait3A_171 : memref<1x1280x32xf32, #tpu.memory_space<vmem>> -> memref<1280x32xf32, #tpu.memory_space<vmem>>
      %dma_wait3A_173 = arith.constant 0 : i32
      %dma_wait3A_174 = arith.constant 0 : i32
      %dma_wait3A_175 = tpu.memref_slice %arg3[%dma_wait3A_173, %dma_wait3A_174] : memref<1048576x32xf32, #tpu.memory_space<hbm>> -> memref<1280x32xf32, #tpu.memory_space<hbm>>
      tpu.wait_dma2 semaphore(%arg10 : memref<!tpu.dma_semaphore, #tpu.memory_space<semaphore_mem>>) src(%dma_wait3A_175 : memref<1280x32xf32, #tpu.memory_space<hbm>>) dst(%dma_wait3A_172 : memref<1280x32xf32, #tpu.memory_space<vmem>>)
      %run_scoped3A_176 = arith.constant 0 : i32
      "tpu.region"() ({
        %run_scoped3A_191 = tpu.sem_alloc : memref<!tpu.dma_semaphore, #tpu.memory_space<semaphore_mem>>
        %dma_start3A_192 = arith.constant 0 : i32
        %dma_start3A_193 = arith.constant 0 : i32
        %dma_start3A_194 = tpu.memref_slice %arg6[%run_scoped3A_176, %dma_start3A_192, %dma_start3A_193] : memref<2x1280x32xf32, #tpu.memory_space<vmem>> -> memref<1x1280x32xf32, #tpu.memory_space<vmem>>
        %dma_start3A_195 = tpu.memref_squeeze %dma_start3A_194 : memref<1x1280x32xf32, #tpu.memory_space<vmem>> -> memref<1280x32xf32, #tpu.memory_space<vmem>>
        %dma_start3A_196 = arith.constant 0 : i32
        %dma_start3A_197 = arith.constant 0 : i32
        %dma_start3A_198 = tpu.memref_slice %arg9[%dma_start3A_196, %dma_start3A_197] : memref<2048x32xf32, #tpu.memory_space<vmem_shared>> -> memref<2048x32xf32, #tpu.memory_space<vmem_shared>>
        tpu.enqueue_indirect_dma source(%dma_start3A_195 : memref<1280x32xf32, #tpu.memory_space<vmem>>) target(%dma_start3A_198 : memref<2048x32xf32, #tpu.memory_space<vmem_shared>>) offsets(%arg7 : memref<1280xi32, #tpu.memory_space<vmem>>) semaphore(%run_scoped3A_191 : memref<!tpu.dma_semaphore, #tpu.memory_space<semaphore_mem>>) {add = true}
        %dma_wait3A_199 = arith.constant 0 : i32
        %dma_wait3A_200 = arith.constant 0 : i32
        %dma_wait3A_201 = tpu.memref_slice %arg6[%run_scoped3A_176, %dma_wait3A_199, %dma_wait3A_200] : memref<2x1280x32xf32, #tpu.memory_space<vmem>> -> memref<1x1280x32xf32, #tpu.memory_space<vmem>>
        %dma_wait3A_202 = tpu.memref_squeeze %dma_wait3A_201 : memref<1x1280x32xf32, #tpu.memory_space<vmem>> -> memref<1280x32xf32, #tpu.memory_space<vmem>>
        %dma_wait3A_203 = arith.constant 0 : i32
        %dma_wait3A_204 = arith.constant 0 : i32
        %dma_wait3A_205 = tpu.memref_slice %arg9[%dma_wait3A_203, %dma_wait3A_204] : memref<2048x32xf32, #tpu.memory_space<vmem_shared>> -> memref<2048x32xf32, #tpu.memory_space<vmem_shared>>
        tpu.wait_indirect_dma semaphore(%run_scoped3A_191 : memref<!tpu.dma_semaphore, #tpu.memory_space<semaphore_mem>>) src(%dma_wait3A_202 : memref<1280x32xf32, #tpu.memory_space<vmem>>) dst(%dma_wait3A_205 : memref<2048x32xf32, #tpu.memory_space<vmem_shared>>)
        tpu.yield
      }) : () -> ()
      %add3A_177 = arith.constant 2 : i32
      %add3A_178 = arith.addi %mul3A_157, %add3A_177 : i32
      %lt3A_179 = arith.constant 20 : i32
      %lt3A_180 = arith.cmpi slt, %add3A_178, %lt3A_179 : i32
      %convert_element_type3A_181 = arith.extui %lt3A_180 : i1 to i32
      %cond3A_182 = arith.constant 0 : i32
      %cond3A_183 = arith.cmpi ne, %convert_element_type3A_181, %cond3A_182 : i32
      scf.if %cond3A_183 {
        %add3A_191 = arith.constant 2 : i32
        %add3A_192 = arith.addi %mul3A_157, %add3A_191 : i32
        %mul3A_193 = arith.constant 10 : i32
        %mul3A_194 = arith.muli %add3A_192, %mul3A_193 : i32
        %run_scoped3A_195 = arith.constant 0 : i32
        "tpu.region"() ({
          %run_scoped3A_326 = tpu.sem_alloc : memref<!tpu.dma_semaphore, #tpu.memory_space<semaphore_mem>>
          %dma_start3A_327 = arith.constant 0 : i32
          %dma_start3A_328 = arith.constant 0 : i32
          %dma_start3A_329 = tpu.memref_slice %arg5[%run_scoped3A_195, %dma_start3A_327, %dma_start3A_328] : memref<2x10x128xi32, #tpu.memory_space<vmem>> -> memref<1x10x128xi32, #tpu.memory_space<vmem>>
          %dma_start3A_330 = tpu.memref_squeeze %dma_start3A_329 : memref<1x10x128xi32, #tpu.memory_space<vmem>> -> memref<10x128xi32, #tpu.memory_space<vmem>>
          %dma_start3A_331 = tpu.memref_slice %arg2[%mul3A_194, %mul3A_2] : memref<200x4096xi32, #tpu.memory_space<hbm>> -> memref<10x128xi32, #tpu.memory_space<hbm>>
          %dma_start3A_332 = arith.constant 0 : i32
          %dma_start3A_333 = arith.constant 0 : i32
          %dma_start3A_334 = tpu.memref_slice %arg5[%run_scoped3A_195, %dma_start3A_332, %dma_start3A_333] : memref<2x10x128xi32, #tpu.memory_space<vmem>> -> memref<1x10x128xi32, #tpu.memory_space<vmem>>
          %dma_start3A_335 = tpu.memref_squeeze %dma_start3A_334 : memref<1x10x128xi32, #tpu.memory_space<vmem>> -> memref<10x128xi32, #tpu.memory_space<vmem>>
          %dma_start3A_336 = tpu.memref_slice %arg2[%mul3A_194, %mul3A_2] : memref<200x4096xi32, #tpu.memory_space<hbm>> -> memref<10x128xi32, #tpu.memory_space<hbm>>
          tpu.enqueue_dma source(%dma_start3A_336 : memref<10x128xi32, #tpu.memory_space<hbm>>) target(%dma_start3A_335 : memref<10x128xi32, #tpu.memory_space<vmem>>) target_semaphore(%run_scoped3A_326 : memref<!tpu.dma_semaphore, #tpu.memory_space<semaphore_mem>>)
          %dma_wait3A_337 = arith.constant 0 : i32
          %dma_wait3A_338 = arith.constant 0 : i32
          %dma_wait3A_339 = tpu.memref_slice %arg5[%run_scoped3A_195, %dma_wait3A_337, %dma_wait3A_338] : memref<2x10x128xi32, #tpu.memory_space<vmem>> -> memref<1x10x128xi32, #tpu.memory_space<vmem>>
          %dma_wait3A_340 = tpu.memref_squeeze %dma_wait3A_339 : memref<1x10x128xi32, #tpu.memory_space<vmem>> -> memref<10x128xi32, #tpu.memory_space<vmem>>
          %dma_wait3A_341 = tpu.memref_slice %arg2[%mul3A_194, %mul3A_2] : memref<200x4096xi32, #tpu.memory_space<hbm>> -> memref<10x128xi32, #tpu.memory_space<hbm>>
          %dma_wait3A_342 = arith.constant 0 : i32
          %dma_wait3A_343 = arith.constant 0 : i32
          %dma_wait3A_344 = tpu.memref_slice %arg5[%run_scoped3A_195, %dma_wait3A_342, %dma_wait3A_343] : memref<2x10x128xi32, #tpu.memory_space<vmem>> -> memref<1x10x128xi32, #tpu.memory_space<vmem>>
          %dma_wait3A_345 = tpu.memref_squeeze %dma_wait3A_344 : memref<1x10x128xi32, #tpu.memory_space<vmem>> -> memref<10x128xi32, #tpu.memory_space<vmem>>
          %dma_wait3A_346 = tpu.memref_slice %arg2[%mul3A_194, %mul3A_2] : memref<200x4096xi32, #tpu.memory_space<hbm>> -> memref<10x128xi32, #tpu.memory_space<hbm>>
          tpu.wait_dma2 semaphore(%run_scoped3A_326 : memref<!tpu.dma_semaphore, #tpu.memory_space<semaphore_mem>>) src(%dma_wait3A_346 : memref<10x128xi32, #tpu.memory_space<hbm>>) dst(%dma_wait3A_345 : memref<10x128xi32, #tpu.memory_space<vmem>>)
          tpu.yield
        }) : () -> ()
        %dma_start3A_196 = arith.constant 0 : i32
        %dma_start3A_197 = arith.constant 0 : i32
        %dma_start3A_198 = arith.constant 0 : i32
        %dma_start3A_199 = arith.constant 0 : i32
        %dma_start3A_200 = arith.constant 0 : i32
        %dma_start3A_201 = tpu.memref_slice %arg6[%dma_start3A_198, %dma_start3A_199, %dma_start3A_200] : memref<2x1280x32xf32, #tpu.memory_space<vmem>> -> memref<1x128x32xf32, #tpu.memory_space<vmem>>
        %dma_start3A_202 = tpu.memref_squeeze %dma_start3A_201 : memref<1x128x32xf32, #tpu.memory_space<vmem>> -> memref<128x32xf32, #tpu.memory_space<vmem>>
        %dma_start3A_203 = arith.constant 0 : i32
        %dma_start3A_204 = tpu.memref_slice %arg5[%dma_start3A_196, %dma_start3A_197, %dma_start3A_203] : memref<2x10x128xi32, #tpu.memory_space<vmem>> -> memref<1x1x128xi32, #tpu.memory_space<vmem>>
        %dma_start3A_205 = tpu.memref_squeeze %dma_start3A_204 : memref<1x1x128xi32, #tpu.memory_space<vmem>> -> memref<128xi32, #tpu.memory_space<vmem>>
        %dma_start3A_206 = arith.constant 0 : i32
        %dma_start3A_207 = arith.constant 0 : i32
        %dma_start3A_208 = tpu.memref_slice %arg3[%dma_start3A_206, %dma_start3A_207] : memref<1048576x32xf32, #tpu.memory_space<hbm>> -> memref<1048576x32xf32, #tpu.memory_space<hbm>>
        tpu.enqueue_indirect_dma source(%dma_start3A_208 : memref<1048576x32xf32, #tpu.memory_space<hbm>>) target(%dma_start3A_202 : memref<128x32xf32, #tpu.memory_space<vmem>>) offsets(%dma_start3A_205 : memref<128xi32, #tpu.memory_space<vmem>>) semaphore(%arg10 : memref<!tpu.dma_semaphore, #tpu.memory_space<semaphore_mem>>)
        %dma_start3A_209 = arith.constant 0 : i32
        %dma_start3A_210 = arith.constant 1 : i32
        %dma_start3A_211 = arith.constant 0 : i32
        %dma_start3A_212 = arith.constant 128 : i32
        %dma_start3A_213 = arith.constant 0 : i32
        %dma_start3A_214 = tpu.memref_slice %arg6[%dma_start3A_211, %dma_start3A_212, %dma_start3A_213] : memref<2x1280x32xf32, #tpu.memory_space<vmem>> -> memref<1x128x32xf32, #tpu.memory_space<vmem>>
        %dma_start3A_215 = tpu.memref_squeeze %dma_start3A_214 : memref<1x128x32xf32, #tpu.memory_space<vmem>> -> memref<128x32xf32, #tpu.memory_space<vmem>>
        %dma_start3A_216 = arith.constant 0 : i32
        %dma_start3A_217 = tpu.memref_slice %arg5[%dma_start3A_209, %dma_start3A_210, %dma_start3A_216] : memref<2x10x128xi32, #tpu.memory_space<vmem>> -> memref<1x1x128xi32, #tpu.memory_space<vmem>>
        %dma_start3A_218 = tpu.memref_squeeze %dma_start3A_217 : memref<1x1x128xi32, #tpu.memory_space<vmem>> -> memref<128xi32, #tpu.memory_space<vmem>>
        %dma_start3A_219 = arith.constant 0 : i32
        %dma_start3A_220 = arith.constant 0 : i32
        %dma_start3A_221 = tpu.memref_slice %arg3[%dma_start3A_219, %dma_start3A_220] : memref<1048576x32xf32, #tpu.memory_space<hbm>> -> memref<1048576x32xf32, #tpu.memory_space<hbm>>
        tpu.enqueue_indirect_dma source(%dma_start3A_221 : memref<1048576x32xf32, #tpu.memory_space<hbm>>) target(%dma_start3A_215 : memref<128x32xf32, #tpu.memory_space<vmem>>) offsets(%dma_start3A_218 : memref<128xi32, #tpu.memory_space<vmem>>) semaphore(%arg10 : memref<!tpu.dma_semaphore, #tpu.memory_space<semaphore_mem>>)
        %dma_start3A_222 = arith.constant 0 : i32
        %dma_start3A_223 = arith.constant 2 : i32
        %dma_start3A_224 = arith.constant 0 : i32
        %dma_start3A_225 = arith.constant 256 : i32
        %dma_start3A_226 = arith.constant 0 : i32
        %dma_start3A_227 = tpu.memref_slice %arg6[%dma_start3A_224, %dma_start3A_225, %dma_start3A_226] : memref<2x1280x32xf32, #tpu.memory_space<vmem>> -> memref<1x128x32xf32, #tpu.memory_space<vmem>>
        %dma_start3A_228 = tpu.memref_squeeze %dma_start3A_227 : memref<1x128x32xf32, #tpu.memory_space<vmem>> -> memref<128x32xf32, #tpu.memory_space<vmem>>
        %dma_start3A_229 = arith.constant 0 : i32
        %dma_start3A_230 = tpu.memref_slice %arg5[%dma_start3A_222, %dma_start3A_223, %dma_start3A_229] : memref<2x10x128xi32, #tpu.memory_space<vmem>> -> memref<1x1x128xi32, #tpu.memory_space<vmem>>
        %dma_start3A_231 = tpu.memref_squeeze %dma_start3A_230 : memref<1x1x128xi32, #tpu.memory_space<vmem>> -> memref<128xi32, #tpu.memory_space<vmem>>
        %dma_start3A_232 = arith.constant 0 : i32
        %dma_start3A_233 = arith.constant 0 : i32
        %dma_start3A_234 = tpu.memref_slice %arg3[%dma_start3A_232, %dma_start3A_233] : memref<1048576x32xf32, #tpu.memory_space<hbm>> -> memref<1048576x32xf32, #tpu.memory_space<hbm>>
        tpu.enqueue_indirect_dma source(%dma_start3A_234 : memref<1048576x32xf32, #tpu.memory_space<hbm>>) target(%dma_start3A_228 : memref<128x32xf32, #tpu.memory_space<vmem>>) offsets(%dma_start3A_231 : memref<128xi32, #tpu.memory_space<vmem>>) semaphore(%arg10 : memref<!tpu.dma_semaphore, #tpu.memory_space<semaphore_mem>>)
        %dma_start3A_235 = arith.constant 0 : i32
        %dma_start3A_236 = arith.constant 3 : i32
        %dma_start3A_237 = arith.constant 0 : i32
        %dma_start3A_238 = arith.constant 384 : i32
        %dma_start3A_239 = arith.constant 0 : i32
        %dma_start3A_240 = tpu.memref_slice %arg6[%dma_start3A_237, %dma_start3A_238, %dma_start3A_239] : memref<2x1280x32xf32, #tpu.memory_space<vmem>> -> memref<1x128x32xf32, #tpu.memory_space<vmem>>
        %dma_start3A_241 = tpu.memref_squeeze %dma_start3A_240 : memref<1x128x32xf32, #tpu.memory_space<vmem>> -> memref<128x32xf32, #tpu.memory_space<vmem>>
        %dma_start3A_242 = arith.constant 0 : i32
        %dma_start3A_243 = tpu.memref_slice %arg5[%dma_start3A_235, %dma_start3A_236, %dma_start3A_242] : memref<2x10x128xi32, #tpu.memory_space<vmem>> -> memref<1x1x128xi32, #tpu.memory_space<vmem>>
        %dma_start3A_244 = tpu.memref_squeeze %dma_start3A_243 : memref<1x1x128xi32, #tpu.memory_space<vmem>> -> memref<128xi32, #tpu.memory_space<vmem>>
        %dma_start3A_245 = arith.constant 0 : i32
        %dma_start3A_246 = arith.constant 0 : i32
        %dma_start3A_247 = tpu.memref_slice %arg3[%dma_start3A_245, %dma_start3A_246] : memref<1048576x32xf32, #tpu.memory_space<hbm>> -> memref<1048576x32xf32, #tpu.memory_space<hbm>>
        tpu.enqueue_indirect_dma source(%dma_start3A_247 : memref<1048576x32xf32, #tpu.memory_space<hbm>>) target(%dma_start3A_241 : memref<128x32xf32, #tpu.memory_space<vmem>>) offsets(%dma_start3A_244 : memref<128xi32, #tpu.memory_space<vmem>>) semaphore(%arg10 : memref<!tpu.dma_semaphore, #tpu.memory_space<semaphore_mem>>)
        %dma_start3A_248 = arith.constant 0 : i32
        %dma_start3A_249 = arith.constant 4 : i32
        %dma_start3A_250 = arith.constant 0 : i32
        %dma_start3A_251 = arith.constant 512 : i32
        %dma_start3A_252 = arith.constant 0 : i32
        %dma_start3A_253 = tpu.memref_slice %arg6[%dma_start3A_250, %dma_start3A_251, %dma_start3A_252] : memref<2x1280x32xf32, #tpu.memory_space<vmem>> -> memref<1x128x32xf32, #tpu.memory_space<vmem>>
        %dma_start3A_254 = tpu.memref_squeeze %dma_start3A_253 : memref<1x128x32xf32, #tpu.memory_space<vmem>> -> memref<128x32xf32, #tpu.memory_space<vmem>>
        %dma_start3A_255 = arith.constant 0 : i32
        %dma_start3A_256 = tpu.memref_slice %arg5[%dma_start3A_248, %dma_start3A_249, %dma_start3A_255] : memref<2x10x128xi32, #tpu.memory_space<vmem>> -> memref<1x1x128xi32, #tpu.memory_space<vmem>>
        %dma_start3A_257 = tpu.memref_squeeze %dma_start3A_256 : memref<1x1x128xi32, #tpu.memory_space<vmem>> -> memref<128xi32, #tpu.memory_space<vmem>>
        %dma_start3A_258 = arith.constant 0 : i32
        %dma_start3A_259 = arith.constant 0 : i32
        %dma_start3A_260 = tpu.memref_slice %arg3[%dma_start3A_258, %dma_start3A_259] : memref<1048576x32xf32, #tpu.memory_space<hbm>> -> memref<1048576x32xf32, #tpu.memory_space<hbm>>
        tpu.enqueue_indirect_dma source(%dma_start3A_260 : memref<1048576x32xf32, #tpu.memory_space<hbm>>) target(%dma_start3A_254 : memref<128x32xf32, #tpu.memory_space<vmem>>) offsets(%dma_start3A_257 : memref<128xi32, #tpu.memory_space<vmem>>) semaphore(%arg10 : memref<!tpu.dma_semaphore, #tpu.memory_space<semaphore_mem>>)
        %dma_start3A_261 = arith.constant 0 : i32
        %dma_start3A_262 = arith.constant 5 : i32
        %dma_start3A_263 = arith.constant 0 : i32
        %dma_start3A_264 = arith.constant 640 : i32
        %dma_start3A_265 = arith.constant 0 : i32
        %dma_start3A_266 = tpu.memref_slice %arg6[%dma_start3A_263, %dma_start3A_264, %dma_start3A_265] : memref<2x1280x32xf32, #tpu.memory_space<vmem>> -> memref<1x128x32xf32, #tpu.memory_space<vmem>>
        %dma_start3A_267 = tpu.memref_squeeze %dma_start3A_266 : memref<1x128x32xf32, #tpu.memory_space<vmem>> -> memref<128x32xf32, #tpu.memory_space<vmem>>
        %dma_start3A_268 = arith.constant 0 : i32
        %dma_start3A_269 = tpu.memref_slice %arg5[%dma_start3A_261, %dma_start3A_262, %dma_start3A_268] : memref<2x10x128xi32, #tpu.memory_space<vmem>> -> memref<1x1x128xi32, #tpu.memory_space<vmem>>
        %dma_start3A_270 = tpu.memref_squeeze %dma_start3A_269 : memref<1x1x128xi32, #tpu.memory_space<vmem>> -> memref<128xi32, #tpu.memory_space<vmem>>
        %dma_start3A_271 = arith.constant 0 : i32
        %dma_start3A_272 = arith.constant 0 : i32
        %dma_start3A_273 = tpu.memref_slice %arg3[%dma_start3A_271, %dma_start3A_272] : memref<1048576x32xf32, #tpu.memory_space<hbm>> -> memref<1048576x32xf32, #tpu.memory_space<hbm>>
        tpu.enqueue_indirect_dma source(%dma_start3A_273 : memref<1048576x32xf32, #tpu.memory_space<hbm>>) target(%dma_start3A_267 : memref<128x32xf32, #tpu.memory_space<vmem>>) offsets(%dma_start3A_270 : memref<128xi32, #tpu.memory_space<vmem>>) semaphore(%arg10 : memref<!tpu.dma_semaphore, #tpu.memory_space<semaphore_mem>>)
        %dma_start3A_274 = arith.constant 0 : i32
        %dma_start3A_275 = arith.constant 6 : i32
        %dma_start3A_276 = arith.constant 0 : i32
        %dma_start3A_277 = arith.constant 768 : i32
        %dma_start3A_278 = arith.constant 0 : i32
        %dma_start3A_279 = tpu.memref_slice %arg6[%dma_start3A_276, %dma_start3A_277, %dma_start3A_278] : memref<2x1280x32xf32, #tpu.memory_space<vmem>> -> memref<1x128x32xf32, #tpu.memory_space<vmem>>
        %dma_start3A_280 = tpu.memref_squeeze %dma_start3A_279 : memref<1x128x32xf32, #tpu.memory_space<vmem>> -> memref<128x32xf32, #tpu.memory_space<vmem>>
        %dma_start3A_281 = arith.constant 0 : i32
        %dma_start3A_282 = tpu.memref_slice %arg5[%dma_start3A_274, %dma_start3A_275, %dma_start3A_281] : memref<2x10x128xi32, #tpu.memory_space<vmem>> -> memref<1x1x128xi32, #tpu.memory_space<vmem>>
        %dma_start3A_283 = tpu.memref_squeeze %dma_start3A_282 : memref<1x1x128xi32, #tpu.memory_space<vmem>> -> memref<128xi32, #tpu.memory_space<vmem>>
        %dma_start3A_284 = arith.constant 0 : i32
        %dma_start3A_285 = arith.constant 0 : i32
        %dma_start3A_286 = tpu.memref_slice %arg3[%dma_start3A_284, %dma_start3A_285] : memref<1048576x32xf32, #tpu.memory_space<hbm>> -> memref<1048576x32xf32, #tpu.memory_space<hbm>>
        tpu.enqueue_indirect_dma source(%dma_start3A_286 : memref<1048576x32xf32, #tpu.memory_space<hbm>>) target(%dma_start3A_280 : memref<128x32xf32, #tpu.memory_space<vmem>>) offsets(%dma_start3A_283 : memref<128xi32, #tpu.memory_space<vmem>>) semaphore(%arg10 : memref<!tpu.dma_semaphore, #tpu.memory_space<semaphore_mem>>)
        %dma_start3A_287 = arith.constant 0 : i32
        %dma_start3A_288 = arith.constant 7 : i32
        %dma_start3A_289 = arith.constant 0 : i32
        %dma_start3A_290 = arith.constant 896 : i32
        %dma_start3A_291 = arith.constant 0 : i32
        %dma_start3A_292 = tpu.memref_slice %arg6[%dma_start3A_289, %dma_start3A_290, %dma_start3A_291] : memref<2x1280x32xf32, #tpu.memory_space<vmem>> -> memref<1x128x32xf32, #tpu.memory_space<vmem>>
        %dma_start3A_293 = tpu.memref_squeeze %dma_start3A_292 : memref<1x128x32xf32, #tpu.memory_space<vmem>> -> memref<128x32xf32, #tpu.memory_space<vmem>>
        %dma_start3A_294 = arith.constant 0 : i32
        %dma_start3A_295 = tpu.memref_slice %arg5[%dma_start3A_287, %dma_start3A_288, %dma_start3A_294] : memref<2x10x128xi32, #tpu.memory_space<vmem>> -> memref<1x1x128xi32, #tpu.memory_space<vmem>>
        %dma_start3A_296 = tpu.memref_squeeze %dma_start3A_295 : memref<1x1x128xi32, #tpu.memory_space<vmem>> -> memref<128xi32, #tpu.memory_space<vmem>>
        %dma_start3A_297 = arith.constant 0 : i32
        %dma_start3A_298 = arith.constant 0 : i32
        %dma_start3A_299 = tpu.memref_slice %arg3[%dma_start3A_297, %dma_start3A_298] : memref<1048576x32xf32, #tpu.memory_space<hbm>> -> memref<1048576x32xf32, #tpu.memory_space<hbm>>
        tpu.enqueue_indirect_dma source(%dma_start3A_299 : memref<1048576x32xf32, #tpu.memory_space<hbm>>) target(%dma_start3A_293 : memref<128x32xf32, #tpu.memory_space<vmem>>) offsets(%dma_start3A_296 : memref<128xi32, #tpu.memory_space<vmem>>) semaphore(%arg10 : memref<!tpu.dma_semaphore, #tpu.memory_space<semaphore_mem>>)
        %dma_start3A_300 = arith.constant 0 : i32
        %dma_start3A_301 = arith.constant 8 : i32
        %dma_start3A_302 = arith.constant 0 : i32
        %dma_start3A_303 = arith.constant 1024 : i32
        %dma_start3A_304 = arith.constant 0 : i32
        %dma_start3A_305 = tpu.memref_slice %arg6[%dma_start3A_302, %dma_start3A_303, %dma_start3A_304] : memref<2x1280x32xf32, #tpu.memory_space<vmem>> -> memref<1x128x32xf32, #tpu.memory_space<vmem>>
        %dma_start3A_306 = tpu.memref_squeeze %dma_start3A_305 : memref<1x128x32xf32, #tpu.memory_space<vmem>> -> memref<128x32xf32, #tpu.memory_space<vmem>>
        %dma_start3A_307 = arith.constant 0 : i32
        %dma_start3A_308 = tpu.memref_slice %arg5[%dma_start3A_300, %dma_start3A_301, %dma_start3A_307] : memref<2x10x128xi32, #tpu.memory_space<vmem>> -> memref<1x1x128xi32, #tpu.memory_space<vmem>>
        %dma_start3A_309 = tpu.memref_squeeze %dma_start3A_308 : memref<1x1x128xi32, #tpu.memory_space<vmem>> -> memref<128xi32, #tpu.memory_space<vmem>>
        %dma_start3A_310 = arith.constant 0 : i32
        %dma_start3A_311 = arith.constant 0 : i32
        %dma_start3A_312 = tpu.memref_slice %arg3[%dma_start3A_310, %dma_start3A_311] : memref<1048576x32xf32, #tpu.memory_space<hbm>> -> memref<1048576x32xf32, #tpu.memory_space<hbm>>
        tpu.enqueue_indirect_dma source(%dma_start3A_312 : memref<1048576x32xf32, #tpu.memory_space<hbm>>) target(%dma_start3A_306 : memref<128x32xf32, #tpu.memory_space<vmem>>) offsets(%dma_start3A_309 : memref<128xi32, #tpu.memory_space<vmem>>) semaphore(%arg10 : memref<!tpu.dma_semaphore, #tpu.memory_space<semaphore_mem>>)
        %dma_start3A_313 = arith.constant 0 : i32
        %dma_start3A_314 = arith.constant 9 : i32
        %dma_start3A_315 = arith.constant 0 : i32
        %dma_start3A_316 = arith.constant 1152 : i32
        %dma_start3A_317 = arith.constant 0 : i32
        %dma_start3A_318 = tpu.memref_slice %arg6[%dma_start3A_315, %dma_start3A_316, %dma_start3A_317] : memref<2x1280x32xf32, #tpu.memory_space<vmem>> -> memref<1x128x32xf32, #tpu.memory_space<vmem>>
        %dma_start3A_319 = tpu.memref_squeeze %dma_start3A_318 : memref<1x128x32xf32, #tpu.memory_space<vmem>> -> memref<128x32xf32, #tpu.memory_space<vmem>>
        %dma_start3A_320 = arith.constant 0 : i32
        %dma_start3A_321 = tpu.memref_slice %arg5[%dma_start3A_313, %dma_start3A_314, %dma_start3A_320] : memref<2x10x128xi32, #tpu.memory_space<vmem>> -> memref<1x1x128xi32, #tpu.memory_space<vmem>>
        %dma_start3A_322 = tpu.memref_squeeze %dma_start3A_321 : memref<1x1x128xi32, #tpu.memory_space<vmem>> -> memref<128xi32, #tpu.memory_space<vmem>>
        %dma_start3A_323 = arith.constant 0 : i32
        %dma_start3A_324 = arith.constant 0 : i32
        %dma_start3A_325 = tpu.memref_slice %arg3[%dma_start3A_323, %dma_start3A_324] : memref<1048576x32xf32, #tpu.memory_space<hbm>> -> memref<1048576x32xf32, #tpu.memory_space<hbm>>
        tpu.enqueue_indirect_dma source(%dma_start3A_325 : memref<1048576x32xf32, #tpu.memory_space<hbm>>) target(%dma_start3A_319 : memref<128x32xf32, #tpu.memory_space<vmem>>) offsets(%dma_start3A_322 : memref<128xi32, #tpu.memory_space<vmem>>) semaphore(%arg10 : memref<!tpu.dma_semaphore, #tpu.memory_space<semaphore_mem>>)
      } else {
      }
      %add3A_184 = arith.constant 1 : i32
      %add3A_185 = arith.addi %mul3A_157, %add3A_184 : i32
      %lt3A_186 = arith.constant 20 : i32
      %lt3A_187 = arith.cmpi slt, %add3A_185, %lt3A_186 : i32
      %convert_element_type3A_188 = arith.extui %lt3A_187 : i1 to i32
      %cond3A_189 = arith.constant 0 : i32
      %cond3A_190 = arith.cmpi ne, %convert_element_type3A_188, %cond3A_189 : i32
      scf.if %cond3A_190 {
        %dma_wait3A_191 = arith.constant 1 : i32
        %dma_wait3A_192 = arith.constant 0 : i32
        %dma_wait3A_193 = arith.constant 0 : i32
        %dma_wait3A_194 = tpu.memref_slice %arg6[%dma_wait3A_191, %dma_wait3A_192, %dma_wait3A_193] : memref<2x1280x32xf32, #tpu.memory_space<vmem>> -> memref<1x1280x32xf32, #tpu.memory_space<vmem>>
        %dma_wait3A_195 = tpu.memref_squeeze %dma_wait3A_194 : memref<1x1280x32xf32, #tpu.memory_space<vmem>> -> memref<1280x32xf32, #tpu.memory_space<vmem>>
        %dma_wait3A_196 = arith.constant 0 : i32
        %dma_wait3A_197 = arith.constant 0 : i32
        %dma_wait3A_198 = tpu.memref_slice %arg3[%dma_wait3A_196, %dma_wait3A_197] : memref<1048576x32xf32, #tpu.memory_space<hbm>> -> memref<1280x32xf32, #tpu.memory_space<hbm>>
        %dma_wait3A_199 = arith.constant 0 : i32
        %dma_wait3A_200 = arith.constant 0 : i32
        %dma_wait3A_201 = tpu.memref_slice %arg6[%dma_wait3A_191, %dma_wait3A_199, %dma_wait3A_200] : memref<2x1280x32xf32, #tpu.memory_space<vmem>> -> memref<1x1280x32xf32, #tpu.memory_space<vmem>>
        %dma_wait3A_202 = tpu.memref_squeeze %dma_wait3A_201 : memref<1x1280x32xf32, #tpu.memory_space<vmem>> -> memref<1280x32xf32, #tpu.memory_space<vmem>>
        %dma_wait3A_203 = arith.constant 0 : i32
        %dma_wait3A_204 = arith.constant 0 : i32
        %dma_wait3A_205 = tpu.memref_slice %arg3[%dma_wait3A_203, %dma_wait3A_204] : memref<1048576x32xf32, #tpu.memory_space<hbm>> -> memref<1280x32xf32, #tpu.memory_space<hbm>>
        tpu.wait_dma2 semaphore(%arg11 : memref<!tpu.dma_semaphore, #tpu.memory_space<semaphore_mem>>) src(%dma_wait3A_205 : memref<1280x32xf32, #tpu.memory_space<hbm>>) dst(%dma_wait3A_202 : memref<1280x32xf32, #tpu.memory_space<vmem>>)
        %run_scoped3A_206 = arith.constant 1 : i32
        "tpu.region"() ({
          %run_scoped3A_207 = tpu.sem_alloc : memref<!tpu.dma_semaphore, #tpu.memory_space<semaphore_mem>>
          %dma_start3A_208 = arith.constant 0 : i32
          %dma_start3A_209 = arith.constant 0 : i32
          %dma_start3A_210 = tpu.memref_slice %arg6[%run_scoped3A_206, %dma_start3A_208, %dma_start3A_209] : memref<2x1280x32xf32, #tpu.memory_space<vmem>> -> memref<1x1280x32xf32, #tpu.memory_space<vmem>>
          %dma_start3A_211 = tpu.memref_squeeze %dma_start3A_210 : memref<1x1280x32xf32, #tpu.memory_space<vmem>> -> memref<1280x32xf32, #tpu.memory_space<vmem>>
          %dma_start3A_212 = arith.constant 0 : i32
          %dma_start3A_213 = arith.constant 0 : i32
          %dma_start3A_214 = tpu.memref_slice %arg9[%dma_start3A_212, %dma_start3A_213] : memref<2048x32xf32, #tpu.memory_space<vmem_shared>> -> memref<2048x32xf32, #tpu.memory_space<vmem_shared>>
          tpu.enqueue_indirect_dma source(%dma_start3A_211 : memref<1280x32xf32, #tpu.memory_space<vmem>>) target(%dma_start3A_214 : memref<2048x32xf32, #tpu.memory_space<vmem_shared>>) offsets(%arg7 : memref<1280xi32, #tpu.memory_space<vmem>>) semaphore(%run_scoped3A_207 : memref<!tpu.dma_semaphore, #tpu.memory_space<semaphore_mem>>) {add = true}
          %dma_wait3A_215 = arith.constant 0 : i32
          %dma_wait3A_216 = arith.constant 0 : i32
          %dma_wait3A_217 = tpu.memref_slice %arg6[%run_scoped3A_206, %dma_wait3A_215, %dma_wait3A_216] : memref<2x1280x32xf32, #tpu.memory_space<vmem>> -> memref<1x1280x32xf32, #tpu.memory_space<vmem>>
          %dma_wait3A_218 = tpu.memref_squeeze %dma_wait3A_217 : memref<1x1280x32xf32, #tpu.memory_space<vmem>> -> memref<1280x32xf32, #tpu.memory_space<vmem>>
          %dma_wait3A_219 = arith.constant 0 : i32
          %dma_wait3A_220 = arith.constant 0 : i32
          %dma_wait3A_221 = tpu.memref_slice %arg9[%dma_wait3A_219, %dma_wait3A_220] : memref<2048x32xf32, #tpu.memory_space<vmem_shared>> -> memref<2048x32xf32, #tpu.memory_space<vmem_shared>>
          tpu.wait_indirect_dma semaphore(%run_scoped3A_207 : memref<!tpu.dma_semaphore, #tpu.memory_space<semaphore_mem>>) src(%dma_wait3A_218 : memref<1280x32xf32, #tpu.memory_space<vmem>>) dst(%dma_wait3A_221 : memref<2048x32xf32, #tpu.memory_space<vmem_shared>>)
          tpu.yield
        }) : () -> ()
      } else {
      }
    }
    %scan3A_148 = arith.constant 10 : i32
    "tpu.region"() ({
      %run_scoped3A_155 = tpu.sem_alloc : memref<!tpu.dma_semaphore, #tpu.memory_space<semaphore_mem>>
      %dma_start3A_156 = arith.constant 0 : i32
      %dma_start3A_157 = tpu.memref_slice %arg9[%mul3A_4, %dma_start3A_156] : memref<2048x32xf32, #tpu.memory_space<vmem_shared>> -> memref<128x32xf32, #tpu.memory_space<vmem_shared>>
      %dma_start3A_158 = arith.constant 0 : i32
      %dma_start3A_159 = tpu.memref_slice %arg9[%mul3A_4, %dma_start3A_158] : memref<2048x32xf32, #tpu.memory_space<vmem_shared>> -> memref<128x32xf32, #tpu.memory_space<vmem_shared>>
      tpu.enqueue_dma source(%dma_start3A_159 : memref<128x32xf32, #tpu.memory_space<vmem_shared>>) target(%arg8 : memref<128x32xf32, #tpu.memory_space<vmem>>) target_semaphore(%run_scoped3A_155 : memref<!tpu.dma_semaphore, #tpu.memory_space<semaphore_mem>>)
      %dma_wait3A = arith.constant 0 : i32
      %dma_wait3A_160 = tpu.memref_slice %arg9[%mul3A_4, %dma_wait3A] : memref<2048x32xf32, #tpu.memory_space<vmem_shared>> -> memref<128x32xf32, #tpu.memory_space<vmem_shared>>
      %dma_wait3A_161 = arith.constant 0 : i32
      %dma_wait3A_162 = tpu.memref_slice %arg9[%mul3A_4, %dma_wait3A_161] : memref<2048x32xf32, #tpu.memory_space<vmem_shared>> -> memref<128x32xf32, #tpu.memory_space<vmem_shared>>
      tpu.wait_dma2 semaphore(%run_scoped3A_155 : memref<!tpu.dma_semaphore, #tpu.memory_space<semaphore_mem>>) src(%dma_wait3A_162 : memref<128x32xf32, #tpu.memory_space<vmem_shared>>) dst(%arg8 : memref<128x32xf32, #tpu.memory_space<vmem>>)
      tpu.yield
    }) : () -> ()
    %scan3A_149 = arith.constant 5.000000e-03 : f32
    %scan3A_150 = arith.constant 0 : i32
    %scan3A_151 = arith.constant 128 : i32
    %scan3A_152 = arith.addi %scan3A_150, %scan3A_151 : i32
    %scan3A_153 = arith.constant 1 : i32
    scf.for %scan3A_155 = %scan3A_150 to %scan3A_152 step %scan3A_153  : i32 {
      %get3A = arith.index_cast %scan3A_155 : i32 to index
      %get3A_156 = arith.constant 0 : index
      %get3A_157 = tpu.vector_load %arg8[%get3A, %get3A_156] {strides = array<i32>} : memref<128x32xf32, #tpu.memory_space<vmem>>, vector<1x16xf32>,
      %get3A_158 = vector.shape_cast %get3A_157 : vector<1x16xf32> to vector<16xf32>
      %mul3A_159 = vector.broadcast %scan3A_149 : f32 to vector<16xf32>
      %mul3A_160 = arith.mulf %get3A_158, %mul3A_159 : vector<16xf32>
      %swap3A = arith.index_cast %scan3A_155 : i32 to index
      %swap3A_161 = arith.constant 0 : index
      %swap3A_162 = tpu.vector_load %arg8[%swap3A, %swap3A_161] {strides = array<i32>} : memref<128x32xf32, #tpu.memory_space<vmem>>, vector<1x16xf32>,
      %swap3A_163 = vector.shape_cast %swap3A_162 : vector<1x16xf32> to vector<16xf32>
      %swap3A_164 = vector.shape_cast %mul3A_160 : vector<16xf32> to vector<1x16xf32>
      tpu.vector_store %arg8[%swap3A, %swap3A_161], %swap3A_164 {strides = array<i32>} : memref<128x32xf32, #tpu.memory_space<vmem>>, vector<1x16xf32>,
      %get3A_165 = arith.index_cast %scan3A_155 : i32 to index
      %get3A_166 = arith.constant 16 : index
      %get3A_167 = tpu.vector_load %arg8[%get3A_165, %get3A_166] {strides = array<i32>} : memref<128x32xf32, #tpu.memory_space<vmem>>, vector<1x16xf32>,
      %get3A_168 = vector.shape_cast %get3A_167 : vector<1x16xf32> to vector<16xf32>
      %mul3A_169 = vector.broadcast %scan3A_149 : f32 to vector<16xf32>
      %mul3A_170 = arith.mulf %get3A_168, %mul3A_169 : vector<16xf32>
      %swap3A_171 = arith.index_cast %scan3A_155 : i32 to index
      %swap3A_172 = arith.constant 16 : index
      %swap3A_173 = tpu.vector_load %arg8[%swap3A_171, %swap3A_172] {strides = array<i32>} : memref<128x32xf32, #tpu.memory_space<vmem>>, vector<1x16xf32>,
      %swap3A_174 = vector.shape_cast %swap3A_173 : vector<1x16xf32> to vector<16xf32>
      %swap3A_175 = vector.shape_cast %mul3A_170 : vector<16xf32> to vector<1x16xf32>
      tpu.vector_store %arg8[%swap3A_171, %swap3A_172], %swap3A_175 {strides = array<i32>} : memref<128x32xf32, #tpu.memory_space<vmem>>, vector<1x16xf32>,
    }
    %scan3A_154 = arith.constant 128 : i32
    "tpu.region"() ({
      %run_scoped3A_155 = tpu.sem_alloc : memref<!tpu.dma_semaphore, #tpu.memory_space<semaphore_mem>>
      %dma_start3A_156 = arith.constant 0 : i32
      %dma_start3A_157 = tpu.memref_slice %arg4[%mul3A_2, %dma_start3A_156] : memref<4096x32xf32, #tpu.memory_space<hbm>> -> memref<128x32xf32, #tpu.memory_space<hbm>>
      %dma_start3A_158 = arith.constant 0 : i32
      %dma_start3A_159 = tpu.memref_slice %arg4[%mul3A_2, %dma_start3A_158] : memref<4096x32xf32, #tpu.memory_space<hbm>> -> memref<128x32xf32, #tpu.memory_space<hbm>>
      tpu.enqueue_dma source(%arg8 : memref<128x32xf32, #tpu.memory_space<vmem>>) target(%dma_start3A_159 : memref<128x32xf32, #tpu.memory_space<hbm>>) target_semaphore(%run_scoped3A_155 : memref<!tpu.dma_semaphore, #tpu.memory_space<semaphore_mem>>)
      %dma_wait3A = arith.constant 0 : i32
      %dma_wait3A_160 = tpu.memref_slice %arg4[%mul3A_2, %dma_wait3A] : memref<4096x32xf32, #tpu.memory_space<hbm>> -> memref<128x32xf32, #tpu.memory_space<hbm>>
      %dma_wait3A_161 = arith.constant 0 : i32
      %dma_wait3A_162 = tpu.memref_slice %arg4[%mul3A_2, %dma_wait3A_161] : memref<4096x32xf32, #tpu.memory_space<hbm>> -> memref<128x32xf32, #tpu.memory_space<hbm>>
      tpu.wait_dma2 semaphore(%run_scoped3A_155 : memref<!tpu.dma_semaphore, #tpu.memory_space<semaphore_mem>>) src(%arg8 : memref<128x32xf32, #tpu.memory_space<vmem>>) dst(%dma_wait3A_162 : memref<128x32xf32, #tpu.memory_space<hbm>>)
      tpu.yield
    }) : () -> ()
    return
  }
}

module attributes {stable_mosaic.version = 14 : i64} {
  func.func @_pack_body(%arg0: i32, %arg1: memref<32x8192xf32, #tpu.memory_space<vmem>>, %arg2: memref<32x8192xf32, #tpu.memory_space<vmem>>, %arg3: memref<32x8192xf32, #tpu.memory_space<vmem>>, %arg4: memref<32x8192xf32, #tpu.memory_space<vmem>>, %arg5: memref<8192x128xf32, #tpu.memory_space<vmem>>) attributes {dimension_semantics = [#tpu.dimension_semantics<arbitrary>], iteration_bounds = array<i64: 32>, scalar_prefetch = 0 : i64, scratch_operands = 0 : i64, tpu.core_type = #tpu.core_type<tc>, window_params = [{transform_indices = @transform_0, window_bounds = array<i64: 32, 8192>}, {transform_indices = @transform_1, window_bounds = array<i64: 32, 8192>}, {transform_indices = @transform_2, window_bounds = array<i64: 32, 8192>}, {transform_indices = @transform_3, window_bounds = array<i64: 32, 8192>}, {transform_indices = @transform_4, window_bounds = array<i64: 8192, 128>}]} {
    %get3A = arith.constant 0 : index
    %get3A_0 = arith.constant 0 : index
    %get3A_1 = vector.load %arg1[%get3A, %get3A_0] : memref<32x8192xf32, #tpu.memory_space<vmem>>, vector<32x8192xf32>
    %get3A_2 = arith.constant 0 : index
    %get3A_3 = arith.constant 0 : index
    %get3A_4 = vector.load %arg2[%get3A_2, %get3A_3] : memref<32x8192xf32, #tpu.memory_space<vmem>>, vector<32x8192xf32>
    %get3A_5 = arith.constant 0 : index
    %get3A_6 = arith.constant 0 : index
    %get3A_7 = vector.load %arg3[%get3A_5, %get3A_6] : memref<32x8192xf32, #tpu.memory_space<vmem>>, vector<32x8192xf32>
    %get3A_8 = arith.constant 0 : index
    %get3A_9 = arith.constant 0 : index
    %get3A_10 = vector.load %arg4[%get3A_8, %get3A_9] : memref<32x8192xf32, #tpu.memory_space<vmem>>, vector<32x8192xf32>
    %concatenate3A = tpu.concatenate %get3A_1, %get3A_4, %get3A_7, %get3A_10 in 0 : vector<32x8192xf32>, vector<32x8192xf32>, vector<32x8192xf32>, vector<32x8192xf32> -> vector<128x8192xf32>
    %transpose3A = tpu.transpose %concatenate3A, [1, 0] : vector<128x8192xf32> -> vector<8192x128xf32>
    %swap3A = arith.constant 0 : index
    %swap3A_11 = arith.constant 0 : index
    %swap3A_12 = vector.load %arg5[%swap3A, %swap3A_11] : memref<8192x128xf32, #tpu.memory_space<vmem>>, vector<8192x128xf32>
    tpu.vector_store %arg5[%swap3A, %swap3A_11], %transpose3A {strides = array<i32>} : memref<8192x128xf32, #tpu.memory_space<vmem>>, vector<8192x128xf32>,
    return
  }
  func.func @transform_0(%arg0: i32) -> (i32, i32) {
    %add3A = arith.constant 0 : i32
    %add3A_0 = arith.addi %arg0, %add3A : i32
    %min3A = arith.constant 122 : i32
    %min3A_1 = arith.minsi %add3A_0, %min3A : i32
    %c0_i32 = arith.constant 0 : i32
    %c0_i32_2 = arith.constant 0 : i32
    return %c0_i32, %min3A_1 : i32, i32
  }
  func.func @transform_1(%arg0: i32) -> (i32, i32) {
    %add3A = arith.constant 32 : i32
    %add3A_0 = arith.addi %arg0, %add3A : i32
    %min3A = arith.constant 122 : i32
    %min3A_1 = arith.minsi %add3A_0, %min3A : i32
    %c0_i32 = arith.constant 0 : i32
    %c0_i32_2 = arith.constant 0 : i32
    return %c0_i32, %min3A_1 : i32, i32
  }
  func.func @transform_2(%arg0: i32) -> (i32, i32) {
    %add3A = arith.constant 64 : i32
    %add3A_0 = arith.addi %arg0, %add3A : i32
    %min3A = arith.constant 122 : i32
    %min3A_1 = arith.minsi %add3A_0, %min3A : i32
    %c0_i32 = arith.constant 0 : i32
    %c0_i32_2 = arith.constant 0 : i32
    return %c0_i32, %min3A_1 : i32, i32
  }
  func.func @transform_3(%arg0: i32) -> (i32, i32) {
    %add3A = arith.constant 96 : i32
    %add3A_0 = arith.addi %arg0, %add3A : i32
    %min3A = arith.constant 122 : i32
    %min3A_1 = arith.minsi %add3A_0, %min3A : i32
    %c0_i32 = arith.constant 0 : i32
    %c0_i32_2 = arith.constant 0 : i32
    return %c0_i32, %min3A_1 : i32, i32
  }
  func.func @transform_4(%arg0: i32) -> (i32, i32) {
    %c0_i32 = arith.constant 0 : i32
    %c0_i32_0 = arith.constant 0 : i32
    return %arg0, %c0_i32 : i32, i32
  }
}

</mosaic_0001>

<sc_bundles>
// kernel: kernel.4.cloned.1.call-start
scs
__scs_entry_jumppad:
0x0: {  	(pc) =	sbr.rel $0x88, $3  }
0x1: {  	(tag) =	ssettag $0x0;
	lr =	simm.s32 $0x1  }
0x2: {  	[smem:$0x3F9F] =	sst lr;
	_ =	strace $0xD0000000  }
0x3: {  	_ = 	snop  }
0x4: {  	_ = 	snop  }
0x5: {  	_ = 	snop  }
0x6: {  	_ = 	snop  }
0x7: {  	_ = 	snop  }
__scs_overlays_trampoline_lowered:
0x8: {  	[smem:$0x3FAE] =	sst s0  }
0x9: {  	[smem:$0x3FAF] =	sst s1  }
0xa: {  	[smem:$0x3FB0] =	sst s2  }
0xb: {  	[smem:$0x3FB1] =	sst s3  }
0xc: {  	[smem:$0x3FB2] =	sst s4  }
0xd: {  	[smem:$0x3FB3] =	sst s5  }
0xe: {  	[smem:$0x3FB4] =	sst s6  }
0xf: {  	[smem:$0x3FB5] =	sst s7  }
0x10: {  	[smem:$0x3FB6] =	sst s8  }
0x11: {  	[smem:$0x3FB7] =	sst s9;
	s0 =	simm.s32 @!p0 $0x0  }
0x12: {  	s1 =	sld [smem:$0x3F9D];
	s0 =	simm.s32 @p0 $0x1  }
0x13: {  	[smem:$0x3FB8] =	sst s0;
	s0 =	simm.s32 @!p1 $0x0  }
0x14: {  	s2 =	sld [smem:$0x3F9C];
	s0 =	simm.s32 @p1 $0x1  }
0x15: {  	[smem:$0x3FB9] =	sst s0;
	s0 =	simm.s32 @!p2 $0x0  }
0x16: {  	s3 =	sld [smem:$0x3FDB];
	s0 =	simm.s32 @p2 $0x1  }
0x17: {  	s4 =	simm.s32 $0x1BF5;
	[smem:$0x3FBB] =	sst s0  }
0x18: {  	s0 =	sld [smem:$0x3F9E];
	_ =	swait.ge [sflag:s4], $0x0  }
0x19: {  	s7 =	sld [smem:$0x3F9F]  }
0x1a: {  	s8 =	sadd.s32 $0xFFFFE003, lr  }
0x1b: {  	s9 =	sadd.s32 $0xFFFFFEF7, lr;
	s5 =	simm.s32 $0xFFFFFFFF;
	p2 =	slt.u32 s8, $0xFFFFF086  }
0x1c: {  	p1 =	slt.u32 s9, $0xF7A;
	s5 =	simm.s32 @!p2 $0x0  }
0x1d: {  	s5 =	simm.s32 @p1 $0x1;
	p0 =	seq.s32 s7, s2  }
0x1e: {  	s7 =	smul.u32 @!p0 $0xF7A, s2;
	p2 =	seq.s32 @!p0 s5, $0x0  }
0x1f: {  	s9 =	smul.u32 $0xF7A, s1;
	s8 =	simm.s32 @!p0 $0x1BF5;
	p2 =	por !p2, p0  }
0x20: {  	[sflag:s8] =	ssyncset.s32 @!p0 $0xFFFFF086;
	s6 =	sadd.s32 @!p0 s3, s7;
	s7 =	simm.s32 @!p0 $0x108  }
0x21: {  	s3 =	sadd.s32 s3, s9;
	s6 =	sadd.s32 @!p0 $0x88, s6;
	s7 =	simm.s32 @p2 $0x1082  }
0x22: {  	[simem:s7], [sflag:s8] =	dma.local @!p0 [hbm:s6], $0xF7A  }
0x23: {  	s9 =	sor.u32 $0xD0000000, s2;
	s6 =	simm.s32 $0x108;
	_ =	swait.ge @!p0 [sflag:s8], $0x0  }
0x24: {  	s3 =	sadd.s32 $0x88, s3;
	s6 =	simm.s32 @!p1 $0x1082;
	[sflag:s4] =	ssyncset.s32 $0xFFFFF086  }
0x25: {  	[simem:s6], [sflag:s4] =	dma.local [hbm:s3], $0xF7A  }
0x26: {  	[smem:$0x3F9F] =	sst s1;
	(tag) =	ssettag s2;
	_ =	strace s9  }
0x27: {  	s1 =	sld [smem:$0x3FAF]  }
0x28: {  	s2 =	sld [smem:$0x3FB0]  }
0x29: {  	s4 =	sld [smem:$0x3FB2]  }
0x2a: {  	p0 =	seq.s32 s5, $0x0;
	s5 =	sld [smem:$0x3FB3]  }
0x2b: {  	s6 =	sld [smem:$0x3FB4]  }
0x2c: {  	s7 =	sld [smem:$0x3FB5]  }
0x2d: {  	s3 =	simm.s32 $0x108;
	s8 =	sld [smem:$0x3FB6]  }
0x2e: {  	s3 =	simm.s32 @!p0 $0x1082;
	s9 =	sld [smem:$0x3FB7]  }
0x2f: {  	lr =	sadd.s32 s0, s3;
	s0 =	sld [smem:$0x3FAE]  }
0x30: {  	s3 =	sld [smem:$0x3FB1]  }
0x31: {  	[smem:$0x3FBA] =	sst s10  }
0x32: {  	s10 =	sld [smem:$0x3FB8];
	_ =	sdelay $0x3  }
0x33: {  	p0 =	seq.s32 s10, $0x1;
	s10 =	sld [smem:$0x3FBA];
	_ =	sdelay $0x3  }
0x34: {  	[smem:$0x3FBA] =	sst s10  }
0x35: {  	s10 =	sld [smem:$0x3FB9];
	_ =	sdelay $0x3  }
0x36: {  	p1 =	seq.s32 s10, $0x1;
	s10 =	sld [smem:$0x3FBA];
	_ =	sdelay $0x3  }
0x37: {  	[smem:$0x3FBA] =	sst s10  }
0x38: {  	s10 =	sld [smem:$0x3FBB]  }
0x39: {  	_ = 	snop;
	(pc) =	sbr.ind lr, $3  }
0x3a: {  	_ = 	snop  }
0x3b: {  	_ = 	snop  }
0x3c: {  	p2 =	seq.s32 s10, $0x1;
	s10 =	sld [smem:$0x3FBA]  }
0x3d: {  	_ =	shalt  }
0x3e: {  	_ =	shalt  }
0x3f: {  	_ =	shalt  }
0x40: {  	_ =	shalt  }
0x41: {  	_ =	shalt  }
0x42: {  	_ =	shalt  }
0x43: {  	_ =	shalt  }
0x44: {  	_ =	shalt  }
0x45: {  	_ =	shalt  }
0x46: {  	_ =	shalt  }
0x47: {  	_ =	shalt  }
0x48: {  	_ =	shalt  }
0x49: {  	_ =	shalt  }
0x4a: {  	_ =	shalt  }
0x4b: {  	_ =	shalt  }
0x4c: {  	_ =	shalt  }
0x4d: {  	_ =	shalt  }
0x4e: {  	_ =	shalt  }
0x4f: {  	_ =	shalt  }
0x50: {  	_ =	shalt  }
0x51: {  	_ =	shalt  }
0x52: {  	_ =	shalt  }
0x53: {  	_ =	shalt  }
0x54: {  	_ =	shalt  }
0x55: {  	_ =	shalt  }
0x56: {  	_ =	shalt  }
0x57: {  	_ =	shalt  }
0x58: {  	_ =	shalt  }
0x59: {  	_ =	shalt  }
0x5a: {  	_ =	shalt  }
0x5b: {  	_ =	shalt  }
0x5c: {  	_ =	shalt  }
0x5d: {  	_ =	shalt  }
0x5e: {  	_ =	shalt  }
0x5f: {  	_ =	shalt  }
0x60: {  	_ =	shalt  }
0x61: {  	_ =	shalt  }
0x62: {  	_ =	shalt  }
0x63: {  	_ =	shalt  }
0x64: {  	_ =	shalt  }
0x65: {  	_ =	shalt  }
0x66: {  	_ =	shalt  }
0x67: {  	_ =	shalt  }
0x68: {  	_ =	shalt  }
0x69: {  	_ =	shalt  }
0x6a: {  	_ =	shalt  }
0x6b: {  	_ =	shalt  }
0x6c: {  	_ =	shalt  }
0x6d: {  	_ =	shalt  }
0x6e: {  	_ =	shalt  }
0x6f: {  	_ =	shalt  }
0x70: {  	_ =	shalt  }
0x71: {  	_ =	shalt  }
0x72: {  	_ =	shalt  }
0x73: {  	_ =	shalt  }
0x74: {  	_ =	shalt  }
0x75: {  	_ =	shalt  }
0x76: {  	_ =	shalt  }
0x77: {  	_ =	shalt  }
0x78: {  	_ =	shalt  }
0x79: {  	_ =	shalt  }
0x7a: {  	_ =	shalt  }
0x7b: {  	_ =	shalt  }
0x7c: {  	_ =	shalt  }
0x7d: {  	_ =	shalt  }
0x7e: {  	_ =	shalt  }
0x7f: {  	_ =	shalt  }
0x80: {  	_ =	shalt  }
0x81: {  	_ =	shalt  }
0x82: {  	_ =	shalt  }
0x83: {  	_ =	shalt  }
0x84: {  	_ =	shalt  }
0x85: {  	_ =	shalt  }
0x86: {  	_ =	shalt  }
0x87: {  	_ =	shalt  }
.Lfunc_end0:
.L_simem_size_0:
called_computation_lowered:
.L_overlay_start_0:
0x88: {  	s2 =	sld [smem:$0x3FD9]  }
0x89: {  	s3 =	sld [smem:$0x3FFE];
	_ =	sdelay $0x1  }
0x8a: {  	s1 =	srdreg.scid  }
0x8b: {  	s0 =	sand.u32 $0x1, s1  }
0x8c: {  	s17 =	sshll.u32 s0, $0xA;
	s2 =	sadd.s32 s3, s2  }
0x8d: {  	s2 =	sadd.s32 s2, s17  }
0x8e: {  	[smem:$0x3FC6] =	sst s2  }
0x8f: {  	_ = 	snop  }
0x90: {  	s2 =	sld [smem:$0x3FD0];
	(tm) =	ssettm $0x1  }
0x91: {  	s18 =	sld [smem:$0x3FFB];
	_ =	sdelay $0x3  }
0x92: {  	_ =	strace s18  }
0x93: {  	s3 =	sld [smem:$0x3FFC];
	_ =	sdelay $0x3  }
0x94: {  	_ =	strace s3  }
0x95: {  	s3 =	sld [smem:$0x3FFD];
	_ =	sdelay $0x3  }
0x96: {  	_ =	strace s3  }
0x97: {  	_ =	strace $0x8FFFFFFF  }
0x98: {  	s19 =	sld [smem:$0x3FDB];
	_ =	sdelay $0x1  }
0x99: {  	s4 =	simm.s32 $_scs_section_size  }
0x9a: {  	s5 =	simm.s32 $_size__tile_overlayer_lowered;
	s6 =	simm.s32 $_tile_overlayer_lowered  }
0x9b: {  	s22 =	simm.s32 $0x1BFF;
	s21 =	sshll.u32 s6, $0x1;
	s3 =	sadd.s32 s4, s19  }
0x9c: {  	s7 =	simm.s32 $0x0;
	s20 =	sshll.u32 s5, $0x1;
	s5 =	sadd.s32 s21, s3  }
0x9d: {  	[timem:s7], [sflag:s22] =	dma.local [hbm:s5], s20  }
0x9e: {  	_ =	swait.ge [sflag:s22], s20  }
0x9f: {  	s4 =	ssub.s32 $0x0, s20;
	[sflag:s22] =	ssyncset.done $0x0  }
0xa0: {  	[sflag:s22] =	ssyncadd.s32 s4;
	_ =	sdelay $0x1  }
0xa1: {  	s23 =	simm.s32 $0x1B8B  }
0xa2: {  	_ =	swait.ge [sflag:s23], $0x1  }
0xa3: {  	[sflag:s23] =	ssyncset.done $0x0  }
0xa4: {  	s25 =	simm.s32 $0x1B8E;
	s24 =	sld [smem:$0x3FFE];
	[sflag:s23] =	ssyncadd.s32 $0xFFFFFFFF  }
0xa5: {  	s26 =	simm.s32 $execute0_lowered;
	[smem:$0x3FD2] =	sst s25  }
0xa6: {  	s5 =	sshll.u32 s26, $0x1;
	_ =	strace $0x80000046;
	[dreg:$0x1] =	wrdreg $0xFFFFFFFF  }
0xa7: {  	s28 =	simm.s32 $_size_execute0_lowered;
	s3 =	sadd.s32 s3, s5;
	[dreg:$0x0] =	wrdreg $0x0  }
0xa8: {  	s5 =	sshll.u32 s28, $0x1;
	[dreg:$0x2] =	wrdreg s3  }
0xa9: {  	[dreg:$0x3] =	wrdreg s5  }
0xaa: {  	[dreg:$0x4] =	wrdreg $0xC0  }
0xab: {  	_ =	task [dreg:s7], $0x5FFFF  }
0xac: {  	[dreg:$0x1] =	wrdreg $0xFFFFFFFF  }
0xad: {  	[dreg:$0x0] =	wrdreg $0x60  }
0xae: {  	[dreg:$0x2] =	wrdreg s24  }
0xaf: {  	[dreg:$0x3] =	wrdreg s2  }
0xb0: {  	[dreg:$0x4] =	wrdreg $0x15F000  }
0xb1: {  	[dreg:$0x5] =	wrdreg $0x9  }
0xb2: {  	_ =	task.clear_ibuf [dreg:s7], $0x6FFFF;
	_ =	strace $0x90000046  }
0xb3: {  	s29 =	simm.s32 $0x9;
	_ =	strace $0x80000048  }
0xb4: {  	_ =	swait.ge [sflag:s29], $0x1  }
0xb5: {  	[sflag:s29] =	ssyncadd.s32 $0xFFFFFFFF  }
0xb6: {  	_ =	strace $0x90000048  }
0xb7: {  	_ =	sfence  }
0xb8: {  	s30 =	sld [smem:$0x0];
	_ =	sdelay $0x2  }
0xb9: {  	s31 =	sshll.u32 s1, $0xD;
	s1 =	sshrl.u32 s1, $0x2  }
0xba: {  	s3 =	sand.u32 $0x4000, s31;
	s1 =	sadd.s32 s1, s30  }
0xbb: {  	s0 =	sor.u32 s3, s0;
	s1 =	sshll.u32 s1, $0x11  }
0xbc: {  	s0 =	sor.u32 s1, s0  }
0xbd: {  	s0 =	sadd.s32 $0x8F2B, s0  }
0xbe: {  	[sflag:s0] =	ssyncadd.remote.s32 $0x1  }
0xbf: {  	_ =	sfence.sel $0xFFFF  }
0xc0: {  	[dreg:$0x0] =	wrdreg $0xFFFFFFFF;
	(pc) =	sbr.abs _section_cstart, $3  }
0xc1: {  	[dreg:$0x1] =	wrdreg $0xFFFFFFFF  }
0xc2: {  	_ =	task.clear_ibuf [dreg:s7], $0x2FFFF;
	_ =	strace $0x9FFFFFFF  }
0xc3: {  	(tm) =	ssettm $0x7FFFFFFF  }
tec
execute0_lowered:
.L_overlay_start_1:
0x0: {  	(tag) =	ssettag $0x1  }
0x1: {  	s0 =	rddreg [dreg:$0x0]  }
0x2: {  	s3 =	rddreg [dreg:$0x1]  }
0x3: {  	s2 =	rddreg [dreg:$0x2];
	s1 =	simm.s32 $0x0  }
0x4: {  	s5 =	srdreg.scid;
	s9 =	stileid.u32;
	s13 =	simm.s32 $0x3  }
0x5: {  	s14 =	simm.s32 $0x80;
	s15 =	simm.s32 $0x1000;
	s16 =	simm.s32 $0xA00  }
0x6: {  	s19 =	simm.s32 $0x580;
	s20 =	simm.s32 $0x900;
	[smem:$0x7FF] =	sst s1  }
0x7: {  	s4 =	sadd.s32 $0x400, s0;
	s6 =	sand.u32 $0x1, s5;
	s5 =	sadd.s32 $0x19400, s0  }
0x8: {  	s8 =	sshll.u32 s9, $0x7;
	s22 =	sshll.u32 s9, $0xC;
	s9 =	simm.s32 $0x500  }
0x9: {  	_ =	strace $0x80000047;
	s21 =	ssub.s32 $0x2, s6;
	s6 =	sshll.u32 s6, $0xB  }
0xa: {  	s1 =	sadd.s32 s22, s2;
	s25 =	sor.u32 $0x10, s8;
	s28 =	sor.u32 $0x20, s8  }
0xb: {  	s11 =	sor.u32 $0x30, s8;
	s12 =	sor.u32 $0x40, s8;
	s17 =	sor.u32 $0x50, s8  }
0xc: {  	s18 =	sor.u32 $0x60, s8;
	s26 =	sor.u32 $0x70, s8;
	s22 =	simm.s32 $0xCA00  }
0xd: {  	v7 =	vlaneseq.u32;
	[dreg:$0xc] =	wrdreg s4;
	s7 =	sshrl.u32 s21, $0x1;
	s6 =	sor.u32 s8, s6  }
0xe: {  	v0 =	vor.u32 s8, v7;
	v1 =	vor.u32 s25, v7;
	s25 =	simm.s32 $0x980;
	s8 =	simm.s32 $0x13A00;
	v6 =	vor.u32 s18, v7;
	s18 =	simm.s32 $0x14F00  }
0xf: {  	v3 =	vor.u32 s11, v7;
	v4 =	vor.u32 s12, v7;
	s12 =	simm.s32 $0x2;
	s11 =	simm.s32 $0x0;
	[dreg:$0x5] =	wrdreg s1  }
0x10: {  	s0 =	ssub.s32 s21, s7;
	s23 =	sshrl.u32 s6, $0x3;
	s24 =	sshll.u32 s6, $0x2  }
0x11: {  	s29 =	sor.u32 $0xA000, s6;
	s6 =	sor.u32 $0x14000, s6;
	s21 =	simm.s32 $0xBA00  }
0x12: {  	s10 =	sadd.s32 s4, s23;
	s3 =	sadd.s32 s3, s24;
	[dreg:$0xa] =	wrdreg s6  }
0x13: {  	s0 =	smax.u32 s0, $0x1;
	s7 =	sshrl.u32 s29, $0x3;
	[dreg:$0x7] =	wrdreg s3  }
0x14: {  	s23 =	simm.s32 $0x600;
	s24 =	simm.s32 $0x12A00;
	[dreg:$0x8] =	wrdreg s0  }
0x15: {  	[dreg:$0x6] =	wrdreg s10;
	s30 =	sadd.s32 $0x17C00, s10;
	s31 =	sadd.s32 s7, s4  }
0x16: {  	v8 =	vimm.f32 $0.0e+00;
	s10 =	simm.s32 $0x4;
	s7 =	simm.s32 $0xAA00;
	[dreg:$0x9] =	wrdreg s30  }
0x17: {  	v2 =	vor.u32 s28, v7;
	v5 =	vor.u32 s17, v7;
	v7 =	vor.u32 s26, v7;
	s0 =	simm.s32 $0x11A00;
	s3 =	simm.s32 $0x1;
	[dreg:$0x4] =	wrdreg s31  }
.LBB2_1:
0x18: {  	[tilespmem:$0x14A00] =	vst v0  }
0x19: {  	[tilespmem:$0x14A10] =	vst v1  }
0x1a: {  	[tilespmem:$0x14A20] =	vst v2  }
0x1b: {  	[tilespmem:$0x14A30] =	vst v3  }
0x1c: {  	[tilespmem:$0x14A40] =	vst v4  }
0x1d: {  	[tilespmem:$0x14A50] =	vst v5  }
0x1e: {  	[tilespmem:$0x14A60] =	vst v6  }
0x1f: {  	[tilespmem:$0x14A70] =	vst v7  }
0x20: {  	[tilespmem:$0x14A80] =	vst v0  }
0x21: {  	[tilespmem:$0x14A90] =	vst v1  }
0x22: {  	[tilespmem:$0x14AA0] =	vst v2  }
0x23: {  	[tilespmem:$0x14AB0] =	vst v3  }
0x24: {  	[tilespmem:$0x14AC0] =	vst v4  }
0x25: {  	[tilespmem:$0x14AD0] =	vst v5  }
0x26: {  	[tilespmem:$0x14AE0] =	vst v6  }
0x27: {  	[tilespmem:$0x14AF0] =	vst v7  }
0x28: {  	[tilespmem:$0x14B00] =	vst v0  }
0x29: {  	[tilespmem:$0x14B10] =	vst v1  }
0x2a: {  	[tilespmem:$0x14B20] =	vst v2  }
0x2b: {  	[tilespmem:$0x14B30] =	vst v3  }
0x2c: {  	[tilespmem:$0x14B40] =	vst v4  }
0x2d: {  	[tilespmem:$0x14B50] =	vst v5  }
0x2e: {  	[tilespmem:$0x14B60] =	vst v6  }
0x2f: {  	[tilespmem:$0x14B70] =	vst v7  }
0x30: {  	[tilespmem:$0x14B80] =	vst v0  }
0x31: {  	[tilespmem:$0x14B90] =	vst v1  }
0x32: {  	[tilespmem:$0x14BA0] =	vst v2  }
0x33: {  	[tilespmem:$0x14BB0] =	vst v3  }
0x34: {  	[tilespmem:$0x14BC0] =	vst v4  }
0x35: {  	[tilespmem:$0x14BD0] =	vst v5  }
0x36: {  	[tilespmem:$0x14BE0] =	vst v6  }
0x37: {  	[tilespmem:$0x14BF0] =	vst v7  }
0x38: {  	[tilespmem:$0x14C00] =	vst v0  }
0x39: {  	[tilespmem:$0x14C10] =	vst v1  }
0x3a: {  	[tilespmem:$0x14C20] =	vst v2  }
0x3b: {  	[tilespmem:$0x14C30] =	vst v3  }
0x3c: {  	[tilespmem:$0x14C40] =	vst v4  }
0x3d: {  	[tilespmem:$0x14C50] =	vst v5  }
0x3e: {  	[tilespmem:$0x14C60] =	vst v6  }
0x3f: {  	[tilespmem:$0x14C70] =	vst v7  }
0x40: {  	[tilespmem:$0x14C80] =	vst v0  }
0x41: {  	[tilespmem:$0x14C90] =	vst v1  }
0x42: {  	[tilespmem:$0x14CA0] =	vst v2  }
0x43: {  	[tilespmem:$0x14CB0] =	vst v3  }
0x44: {  	[tilespmem:$0x14CC0] =	vst v4  }
0x45: {  	[tilespmem:$0x14CD0] =	vst v5  }
0x46: {  	[tilespmem:$0x14CE0] =	vst v6  }
0x47: {  	[tilespmem:$0x14CF0] =	vst v7  }
0x48: {  	[tilespmem:$0x14D00] =	vst v0  }
0x49: {  	[tilespmem:$0x14D10] =	vst v1  }
0x4a: {  	[tilespmem:$0x14D20] =	vst v2  }
0x4b: {  	[tilespmem:$0x14D30] =	vst v3  }
0x4c: {  	[tilespmem:$0x14D40] =	vst v4  }
0x4d: {  	[tilespmem:$0x14D50] =	vst v5  }
0x4e: {  	[tilespmem:$0x14D60] =	vst v6  }
0x4f: {  	[tilespmem:$0x14D70] =	vst v7  }
0x50: {  	[tilespmem:$0x14D80] =	vst v0  }
0x51: {  	[tilespmem:$0x14D90] =	vst v1  }
0x52: {  	[tilespmem:$0x14DA0] =	vst v2  }
0x53: {  	[tilespmem:$0x14DB0] =	vst v3  }
0x54: {  	[tilespmem:$0x14DC0] =	vst v4  }
0x55: {  	[tilespmem:$0x14DD0] =	vst v5  }
0x56: {  	[tilespmem:$0x14DE0] =	vst v6  }
0x57: {  	[tilespmem:$0x14DF0] =	vst v7  }
0x58: {  	[tilespmem:$0x14E00] =	vst v0  }
0x59: {  	[tilespmem:$0x14E10] =	vst v1  }
0x5a: {  	[tilespmem:$0x14E20] =	vst v2  }
0x5b: {  	[tilespmem:$0x14E30] =	vst v3  }
0x5c: {  	[tilespmem:$0x14E40] =	vst v4  }
0x5d: {  	[tilespmem:$0x14E50] =	vst v5  }
0x5e: {  	[tilespmem:$0x14E60] =	vst v6  }
0x5f: {  	[tilespmem:$0x14E70] =	vst v7  }
0x60: {  	[tilespmem:$0x14E80] =	vst v0  }
0x61: {  	[tilespmem:$0x14E90] =	vst v1  }
0x62: {  	[tilespmem:$0x14EA0] =	vst v2  }
0x63: {  	[tilespmem:$0x14EB0] =	vst v3  }
0x64: {  	[tilespmem:$0x14EC0] =	vst v4  }
0x65: {  	[tilespmem:$0x14ED0] =	vst v5  }
0x66: {  	[tilespmem:$0x14EE0] =	vst v6  }
0x67: {  	[dreg:$0xb] =	wrdreg s11;
	[tilespmem:$0x14EF0] =	vst v7;
	s6 =	simm.s32 $0x80;
	s11 =	simm.s32 $0x0  }
.LBB2_2:
0x68: {  	p0 =	sne.s32 s6, $0x3F80;
	[tilespmem:s11+$0x14F00] =	vst v8;
	s17 =	smov.u32 s6;
	s6 =	sadd.s32 $0x80, s6  }
.Ltmp0:
0x69: {  	[tilespmem:s11+$0x14F10] =	vst v8;
	(pc) =	sbr.rel @p0 .LBB2_2-.Ltmp0, $2  }
0x6a: {  	_ =	sdelay $0x2  }
0x6b: {  	s11 =	sshra.s32 s17, $0x2  }
0x6c: {  	[tilespmem:s11+$0x14F00] =	vst v8  }
0x6d: {  	[tilespmem:s11+$0x14F10] =	vst v8  }
0x6e: {  	[spmem:s1] =	stream.linear.scatter [tilespmem:s18], [sflag:$0x3], $0x1000, $0x38;
	[tilespmem:$0x16F00] =	vst v63  }
0x6f: {  	_ =	swait.ge [sflag:s13], $0x1000  }
0x70: {  	[sflag:s13] =	ssyncset.done $0x0  }
0x71: {  	s6 =	simm.s32 $0x0;
	s1 =	rddreg [dreg:$0x6];
	[sflag:s13] =	ssyncadd.s32 $0xFFFFF000  }
0x72: {  	[tilespmem:s6], [sflag:$0x3] =	stream.strided.gather [hbm4b:s1+s14], $0x500, s15, s14, $0x38;
	[tilespmem:$0x16F00] =	vst v63  }
0x73: {  	_ =	swait.ge [sflag:s13], $0x500  }
0x74: {  	[sflag:s13] =	ssyncset.done $0x0  }
0x75: {  	[sflag:s13] =	ssyncadd.s32 $0xFFFFFB00  }
0x76: {  	[tilespmem:s16], [sflag:$0x1] =	stream.indirect.gather [hbm4b:s5+s14], $0x20, s6, s14, $0xb8;
	[tilespmem:$0x16F00] =	vst v63  }
0x77: {  	s6 =	simm.s32 $0x1A00  }
0x78: {  	[tilespmem:s6], [sflag:$0x1] =	stream.indirect.gather [hbm4b:s5+s14], $0x20, s14, s14, $0xb8;
	[tilespmem:$0x16F00] =	vst v63  }
0x79: {  	s11 =	simm.s32 $0x100;
	s17 =	simm.s32 $0x2A00  }
0x7a: {  	[tilespmem:s17], [sflag:$0x1] =	stream.indirect.gather [hbm4b:s5+s14], $0x20, s11, s14, $0xb8;
	[tilespmem:$0x16F00] =	vst v63  }
0x7b: {  	s26 =	simm.s32 $0x3A00;
	s18 =	simm.s32 $0x180  }
0x7c: {  	[tilespmem:s26], [sflag:$0x1] =	stream.indirect.gather [hbm4b:s5+s14], $0x20, s18, s14, $0xb8;
	[tilespmem:$0x16F00] =	vst v63  }
0x7d: {  	s11 =	simm.s32 $0x200;
	s17 =	simm.s32 $0x4A00  }
0x7e: {  	[tilespmem:s17], [sflag:$0x1] =	stream.indirect.gather [hbm4b:s5+s14], $0x20, s11, s14, $0xb8;
	[tilespmem:$0x16F00] =	vst v63  }
0x7f: {  	s18 =	simm.s32 $0x280;
	s26 =	simm.s32 $0x5A00  }
0x80: {  	[tilespmem:s26], [sflag:$0x1] =	stream.indirect.gather [hbm4b:s5+s14], $0x20, s18, s14, $0xb8;
	[tilespmem:$0x16F00] =	vst v63  }
0x81: {  	s11 =	simm.s32 $0x300;
	s17 =	simm.s32 $0x6A00  }
0x82: {  	[tilespmem:s17], [sflag:$0x1] =	stream.indirect.gather [hbm4b:s5+s14], $0x20, s11, s14, $0xb8;
	[tilespmem:$0x16F00] =	vst v63  }
0x83: {  	s18 =	simm.s32 $0x7A00;
	s17 =	simm.s32 $0x380  }
0x84: {  	[tilespmem:s18], [sflag:$0x1] =	stream.indirect.gather [hbm4b:s5+s14], $0x20, s17, s14, $0xb8;
	[tilespmem:$0x16F00] =	vst v63  }
0x85: {  	s26 =	simm.s32 $0x8A00;
	s11 =	simm.s32 $0x400  }
0x86: {  	[tilespmem:s26], [sflag:$0x1] =	stream.indirect.gather [hbm4b:s5+s14], $0x20, s11, s14, $0xb8;
	[tilespmem:$0x16F00] =	vst v63  }
0x87: {  	s1 =	simm.s32 $0x480;
	s6 =	rddreg [dreg:$0x4];
	s26 =	simm.s32 $0x9A00  }
0x88: {  	[tilespmem:s26], [sflag:$0x1] =	stream.indirect.gather [hbm4b:s5+s14], $0x20, s1, s14, $0xb8;
	[tilespmem:$0x16F00] =	vst v63  }
0x89: {  	s6 =	sadd.s32 $0x0, s6  }
0x8a: {  	[tilespmem:s9], [sflag:$0x4] =	stream.strided.gather [hbm4b:s6+s14], $0x500, s15, s14, $0x38;
	[tilespmem:$0x16F00] =	vst v63  }
0x8b: {  	_ =	swait.ge [sflag:s10], $0x500  }
0x8c: {  	[sflag:s10] =	ssyncset.done $0x0  }
0x8d: {  	[sflag:s10] =	ssyncadd.s32 $0xFFFFFB00  }
0x8e: {  	[tilespmem:s7], [sflag:$0x2] =	stream.indirect.gather [hbm4b:s5+s14], $0x20, s9, s14, $0xb8;
	[tilespmem:$0x16F00] =	vst v63  }
0x8f: {  	_ = 	snop  }
0x90: {  	[tilespmem:s21], [sflag:$0x2] =	stream.indirect.gather [hbm4b:s5+s14], $0x20, s19, s14, $0xb8;
	[tilespmem:$0x16F00] =	vst v63  }
0x91: {  	_ = 	snop  }
0x92: {  	[tilespmem:s22], [sflag:$0x2] =	stream.indirect.gather [hbm4b:s5+s14], $0x20, s23, s14, $0xb8;
	[tilespmem:$0x16F00] =	vst v63  }
0x93: {  	s18 =	simm.s32 $0xDA00;
	s15 =	simm.s32 $0x680  }
0x94: {  	[tilespmem:s18], [sflag:$0x2] =	stream.indirect.gather [hbm4b:s5+s14], $0x20, s15, s14, $0xb8;
	[tilespmem:$0x16F00] =	vst v63  }
0x95: {  	s19 =	simm.s32 $0x700;
	s22 =	simm.s32 $0xEA00  }
0x96: {  	[tilespmem:s22], [sflag:$0x2] =	stream.indirect.gather [hbm4b:s5+s14], $0x20, s19, s14, $0xb8;
	[tilespmem:$0x16F00] =	vst v63  }
0x97: {  	s26 =	simm.s32 $0xFA00;
	s23 =	simm.s32 $0x780  }
0x98: {  	[tilespmem:s26], [sflag:$0x2] =	stream.indirect.gather [hbm4b:s5+s14], $0x20, s23, s14, $0xb8;
	[tilespmem:$0x16F00] =	vst v63  }
0x99: {  	s6 =	simm.s32 $0x800;
	s7 =	simm.s32 $0x10A00  }
0x9a: {  	[tilespmem:s7], [sflag:$0x2] =	stream.indirect.gather [hbm4b:s5+s14], $0x20, s6, s14, $0xb8;
	[tilespmem:$0x16F00] =	vst v63  }
0x9b: {  	s15 =	simm.s32 $0x880  }
0x9c: {  	[tilespmem:s0], [sflag:$0x2] =	stream.indirect.gather [hbm4b:s5+s14], $0x20, s15, s14, $0xb8;
	[tilespmem:$0x16F00] =	vst v63  }
0x9d: {  	_ = 	snop  }
0x9e: {  	[tilespmem:s24], [sflag:$0x2] =	stream.indirect.gather [hbm4b:s5+s14], $0x20, s20, s14, $0xb8;
	[tilespmem:$0x16F00] =	vst v63  }
0x9f: {  	_ = 	snop  }
0xa0: {  	[tilespmem:s8], [sflag:$0x2] =	stream.indirect.gather [hbm4b:s5+s14], $0x20, s25, s14, $0xb8;
	[tilespmem:$0x16F00] =	vst v63  }
0xa1: {  	_ =	swait.ge [sflag:s3], $0xA000  }
0xa2: {  	[sflag:s3] =	ssyncset.done $0x0  }
0xa3: {  	s8 =	simm.s32 $0x14A00;
	[sflag:s3] =	ssyncadd.s32 $0xFFFF6000  }
0xa4: {  	[spmem:s2] =	stream.indirect.scatter.add.f32 [tilespmem:s16], [sflag:$0x4], $0x20, s8, s9, $0xb8;
	[tilespmem:$0x16F00] =	vst v63  }
0xa5: {  	_ =	swait.ge [sflag:s10], $0xA000  }
0xa6: {  	s19 =	rddreg [dreg:$0xa]  }
0xa7: {  	s15 =	simm.s32 $0x0;
	[sflag:s10] =	ssyncset.done $0x0;
	s16 =	sshrl.u32 s19, $0x3  }
0xa8: {  	[sflag:s10] =	ssyncadd.s32 $0xFFFF6000;
	s6 =	sadd.s32 s4, s16;
	s16 =	simm.s32 $0x1000  }
0xa9: {  	[tilespmem:s15], [sflag:$0x4] =	stream.strided.gather [hbm4b:s6+s14], $0x500, s16, s14, $0x38;
	[tilespmem:$0x16F00] =	vst v63  }
0xaa: {  	_ =	swait.ge [sflag:s10], $0x500  }
0xab: {  	[sflag:s10] =	ssyncset.done $0x0  }
0xac: {  	s0 =	simm.s32 $0xA00;
	[sflag:s10] =	ssyncadd.s32 $0xFFFFFB00  }
0xad: {  	[tilespmem:s0], [sflag:$0x1] =	stream.indirect.gather [hbm4b:s5+s14], $0x20, s15, s14, $0xb8;
	[tilespmem:$0x16F00] =	vst v63  }
0xae: {  	s18 =	simm.s32 $0x1A00  }
0xaf: {  	[tilespmem:s18], [sflag:$0x1] =	stream.indirect.gather [hbm4b:s5+s14], $0x20, s14, s14, $0xb8;
	[tilespmem:$0x16F00] =	vst v63  }
0xb0: {  	s6 =	simm.s32 $0x100;
	s18 =	simm.s32 $0x2A00  }
0xb1: {  	[tilespmem:s18], [sflag:$0x1] =	stream.indirect.gather [hbm4b:s5+s14], $0x20, s6, s14, $0xb8;
	[tilespmem:$0x16F00] =	vst v63  }
0xb2: {  	s6 =	simm.s32 $0x180;
	s18 =	simm.s32 $0x3A00  }
0xb3: {  	[tilespmem:s18], [sflag:$0x1] =	stream.indirect.gather [hbm4b:s5+s14], $0x20, s6, s14, $0xb8;
	[tilespmem:$0x16F00] =	vst v63  }
0xb4: {  	s6 =	simm.s32 $0x200;
	s18 =	simm.s32 $0x4A00  }
0xb5: {  	[tilespmem:s18], [sflag:$0x1] =	stream.indirect.gather [hbm4b:s5+s14], $0x20, s6, s14, $0xb8;
	[tilespmem:$0x16F00] =	vst v63  }
0xb6: {  	s29 =	simm.s32 $0x800;
	s6 =	simm.s32 $0x280;
	s18 =	simm.s32 $0x5A00  }
0xb7: {  	[tilespmem:s18], [sflag:$0x1] =	stream.indirect.gather [hbm4b:s5+s14], $0x20, s6, s14, $0xb8;
	[tilespmem:$0x16F00] =	vst v63  }
0xb8: {  	s30 =	simm.s32 $0x10A00;
	s6 =	simm.s32 $0x300;
	s18 =	simm.s32 $0x6A00  }
0xb9: {  	[tilespmem:s18], [sflag:$0x1] =	stream.indirect.gather [hbm4b:s5+s14], $0x20, s6, s14, $0xb8;
	[tilespmem:$0x16F00] =	vst v63  }
0xba: {  	s31 =	simm.s32 $0xCA00;
	s28 =	simm.s32 $0x12A00;
	s18 =	simm.s32 $0x7A00  }
0xbb: {  	[tilespmem:s18], [sflag:$0x1] =	stream.indirect.gather [hbm4b:s5+s14], $0x20, s17, s14, $0xb8;
	[tilespmem:$0x16F00] =	vst v63  }
0xbc: {  	s1 =	simm.s32 $0x13A00;
	s21 =	simm.s32 $0xAA00;
	s18 =	simm.s32 $0x8A00  }
0xbd: {  	[tilespmem:s18], [sflag:$0x1] =	stream.indirect.gather [hbm4b:s5+s14], $0x20, s11, s14, $0xb8;
	[tilespmem:$0x16F00] =	vst v63  }
0xbe: {  	s22 =	simm.s32 $0x11A00;
	s17 =	simm.s32 $0x480;
	s18 =	simm.s32 $0x9A00  }
0xbf: {  	[tilespmem:s18], [sflag:$0x1] =	stream.indirect.gather [hbm4b:s5+s14], $0x20, s17, s14, $0xb8;
	[tilespmem:$0x16F00] =	vst v63  }
0xc0: {  	s26 =	simm.s32 $0x880;
	s23 =	simm.s32 $0xBA00;
	_ =	swait.ge [sflag:s12], $0xA000  }
0xc1: {  	s7 =	simm.s32 $0x600;
	s20 =	simm.s32 $0x580;
	[sflag:s12] =	ssyncset.done $0x0  }
0xc2: {  	s24 =	simm.s32 $0x900;
	s25 =	simm.s32 $0x980;
	[sflag:s12] =	ssyncadd.s32 $0xFFFF6000  }
0xc3: {  	[spmem:s2] =	stream.indirect.scatter.add.f32 [tilespmem:s21], [sflag:$0x3], $0x20, s8, s9, $0xb8;
	[tilespmem:$0x16F00] =	vst v63  }
0xc4: {  	s6 =	smov.u32 s19;
	s11 =	simm.s32 $0x2800;
	_ =	swait.ge [sflag:s13], $0xA000  }
0xc5: {  	s17 =	simm.s32 $0x5000;
	s18 =	rddreg [dreg:$0x4];
	[sflag:s13] =	ssyncset.done $0x0  }
.LBB2_4:
0xc6: {  	[sflag:s13] =	ssyncadd.s32 $0xFFFF6000;
	s18 =	sadd.s32 s11, s18  }
0xc7: {  	[tilespmem:s9], [sflag:$0x4] =	stream.strided.gather [hbm4b:s18+s14], $0x500, s16, s14, $0x38;
	[tilespmem:$0x16F00] =	vst v63  }
0xc8: {  	_ =	swait.ge [sflag:s10], $0x500  }
0xc9: {  	[sflag:s10] =	ssyncset.done $0x0  }
0xca: {  	[sflag:s10] =	ssyncadd.s32 $0xFFFFFB00  }
0xcb: {  	[tilespmem:s21], [sflag:$0x2] =	stream.indirect.gather [hbm4b:s5+s14], $0x20, s9, s14, $0xb8;
	[tilespmem:$0x16F00] =	vst v63  }
0xcc: {  	_ = 	snop  }
0xcd: {  	[tilespmem:s23], [sflag:$0x2] =	stream.indirect.gather [hbm4b:s5+s14], $0x20, s20, s14, $0xb8;
	[tilespmem:$0x16F00] =	vst v63  }
0xce: {  	s19 =	smov.u32 s17  }
0xcf: {  	[tilespmem:s31], [sflag:$0x2] =	stream.indirect.gather [hbm4b:s5+s14], $0x20, s7, s14, $0xb8;
	[tilespmem:$0x16F00] =	vst v63  }
0xd0: {  	s11 =	smov.u32 s19;
	s18 =	simm.s32 $0x680;
	s19 =	simm.s32 $0xDA00  }
0xd1: {  	[tilespmem:s19], [sflag:$0x2] =	stream.indirect.gather [hbm4b:s5+s14], $0x20, s18, s14, $0xb8;
	[tilespmem:$0x16F00] =	vst v63  }
0xd2: {  	s18 =	simm.s32 $0x700;
	s19 =	simm.s32 $0xEA00  }
0xd3: {  	[tilespmem:s19], [sflag:$0x2] =	stream.indirect.gather [hbm4b:s5+s14], $0x20, s18, s14, $0xb8;
	[tilespmem:$0x16F00] =	vst v63  }
0xd4: {  	s18 =	simm.s32 $0x780;
	s19 =	simm.s32 $0xFA00  }
0xd5: {  	[tilespmem:s19], [sflag:$0x2] =	stream.indirect.gather [hbm4b:s5+s14], $0x20, s18, s14, $0xb8;
	[tilespmem:$0x16F00] =	vst v63  }
0xd6: {  	_ = 	snop  }
0xd7: {  	[tilespmem:s30], [sflag:$0x2] =	stream.indirect.gather [hbm4b:s5+s14], $0x20, s29, s14, $0xb8;
	[tilespmem:$0x16F00] =	vst v63  }
0xd8: {  	_ = 	snop  }
0xd9: {  	[tilespmem:s22], [sflag:$0x2] =	stream.indirect.gather [hbm4b:s5+s14], $0x20, s26, s14, $0xb8;
	[tilespmem:$0x16F00] =	vst v63  }
0xda: {  	_ = 	snop  }
0xdb: {  	[tilespmem:s28], [sflag:$0x2] =	stream.indirect.gather [hbm4b:s5+s14], $0x20, s24, s14, $0xb8;
	[tilespmem:$0x16F00] =	vst v63  }
0xdc: {  	_ = 	snop  }
0xdd: {  	[tilespmem:s1], [sflag:$0x2] =	stream.indirect.gather [hbm4b:s5+s14], $0x20, s25, s14, $0xb8;
	[tilespmem:$0x16F00] =	vst v63  }
0xde: {  	_ =	swait.ge [sflag:s3], $0xA000  }
0xdf: {  	[sflag:s3] =	ssyncset.done $0x0  }
0xe0: {  	[sflag:s3] =	ssyncadd.s32 $0xFFFF6000  }
0xe1: {  	[spmem:s2] =	stream.indirect.scatter.add.f32 [tilespmem:s0], [sflag:$0x4], $0x20, s8, s9, $0xb8;
	[tilespmem:$0x16F00] =	vst v63  }
0xe2: {  	s6 =	sadd.s32 $0x14000, s6;
	_ =	swait.ge [sflag:s10], $0xA000  }
0xe3: {  	s19 =	sshrl.u32 s6, $0x3;
	[sflag:s10] =	ssyncset.done $0x0  }
0xe4: {  	s18 =	sadd.s32 s4, s19;
	[sflag:s10] =	ssyncadd.s32 $0xFFFF6000  }
0xe5: {  	[tilespmem:s15], [sflag:$0x4] =	stream.strided.gather [hbm4b:s18+s14], $0x500, s16, s14, $0x38;
	[tilespmem:$0x16F00] =	vst v63  }
0xe6: {  	_ =	swait.ge [sflag:s10], $0x500  }
0xe7: {  	[sflag:s10] =	ssyncset.done $0x0  }
0xe8: {  	[sflag:s10] =	ssyncadd.s32 $0xFFFFFB00  }
0xe9: {  	[tilespmem:s0], [sflag:$0x1] =	stream.indirect.gather [hbm4b:s5+s14], $0x20, s15, s14, $0xb8;
	[tilespmem:$0x16F00] =	vst v63  }
0xea: {  	s19 =	simm.s32 $0x1A00  }
0xeb: {  	[tilespmem:s19], [sflag:$0x1] =	stream.indirect.gather [hbm4b:s5+s14], $0x20, s14, s14, $0xb8;
	[tilespmem:$0x16F00] =	vst v63  }
0xec: {  	s18 =	simm.s32 $0x100;
	s19 =	simm.s32 $0x2A00  }
0xed: {  	[tilespmem:s19], [sflag:$0x1] =	stream.indirect.gather [hbm4b:s5+s14], $0x20, s18, s14, $0xb8;
	[tilespmem:$0x16F00] =	vst v63  }
0xee: {  	s18 =	simm.s32 $0x180;
	s19 =	simm.s32 $0x3A00  }
0xef: {  	[tilespmem:s19], [sflag:$0x1] =	stream.indirect.gather [hbm4b:s5+s14], $0x20, s18, s14, $0xb8;
	[tilespmem:$0x16F00] =	vst v63  }
0xf0: {  	s18 =	simm.s32 $0x200;
	s19 =	simm.s32 $0x4A00  }
0xf1: {  	[tilespmem:s19], [sflag:$0x1] =	stream.indirect.gather [hbm4b:s5+s14], $0x20, s18, s14, $0xb8;
	[tilespmem:$0x16F00] =	vst v63  }
0xf2: {  	s18 =	simm.s32 $0x280;
	s19 =	simm.s32 $0x5A00  }
0xf3: {  	[tilespmem:s19], [sflag:$0x1] =	stream.indirect.gather [hbm4b:s5+s14], $0x20, s18, s14, $0xb8;
	[tilespmem:$0x16F00] =	vst v63  }
0xf4: {  	s18 =	simm.s32 $0x300;
	s19 =	simm.s32 $0x6A00  }
0xf5: {  	[tilespmem:s19], [sflag:$0x1] =	stream.indirect.gather [hbm4b:s5+s14], $0x20, s18, s14, $0xb8;
	[tilespmem:$0x16F00] =	vst v63  }
0xf6: {  	s18 =	simm.s32 $0x380;
	s19 =	simm.s32 $0x7A00  }
0xf7: {  	[tilespmem:s19], [sflag:$0x1] =	stream.indirect.gather [hbm4b:s5+s14], $0x20, s18, s14, $0xb8;
	[tilespmem:$0x16F00] =	vst v63  }
0xf8: {  	s18 =	simm.s32 $0x400;
	s19 =	simm.s32 $0x8A00  }
0xf9: {  	[tilespmem:s19], [sflag:$0x1] =	stream.indirect.gather [hbm4b:s5+s14], $0x20, s18, s14, $0xb8;
	[tilespmem:$0x16F00] =	vst v63  }
0xfa: {  	s18 =	simm.s32 $0x480;
	s19 =	simm.s32 $0x9A00  }
0xfb: {  	[tilespmem:s19], [sflag:$0x1] =	stream.indirect.gather [hbm4b:s5+s14], $0x20, s18, s14, $0xb8;
	[tilespmem:$0x16F00] =	vst v63  }
0xfc: {  	p0 =	sne.s32 s17, $0x14000;
	_ =	swait.ge [sflag:s12], $0xA000  }
.Ltmp1:
0xfd: {  	[sflag:s12] =	ssyncset.done $0x0;
	(pc) =	sbr.rel @p0 .LBB2_4-.Ltmp1, $4  }
0xfe: {  	[sflag:s12] =	ssyncadd.s32 $0xFFFF6000  }
0xff: {  	[spmem:s2] =	stream.indirect.scatter.add.f32 [tilespmem:s21], [sflag:$0x3], $0x20, s8, s9, $0xb8;
	[tilespmem:$0x16F00] =	vst v63  }
0x100: {  	_ =	swait.ge [sflag:s13], $0xA000  }
0x101: {  	s17 =	sadd.s32 $0x2800, s17;
	s18 =	rddreg [dreg:$0x4];
	[sflag:s13] =	ssyncset.done $0x0  }
0x102: {  	s11 =	sadd.s32 s11, s18;
	[sflag:s13] =	ssyncadd.s32 $0xFFFF6000  }
0x103: {  	[tilespmem:s9], [sflag:$0x4] =	stream.strided.gather [hbm4b:s11+s14], $0x500, s16, s14, $0x38;
	[tilespmem:$0x16F00] =	vst v63  }
0x104: {  	_ =	swait.ge [sflag:s10], $0x500  }
0x105: {  	[sflag:s10] =	ssyncset.done $0x0  }
0x106: {  	[sflag:s10] =	ssyncadd.s32 $0xFFFFFB00  }
0x107: {  	[tilespmem:s21], [sflag:$0x2] =	stream.indirect.gather [hbm4b:s5+s14], $0x20, s9, s14, $0xb8;
	[tilespmem:$0x16F00] =	vst v63  }
0x108: {  	s1 =	simm.s32 $0xBA00;
	s11 =	simm.s32 $0x580  }
0x109: {  	[tilespmem:s1], [sflag:$0x2] =	stream.indirect.gather [hbm4b:s5+s14], $0x20, s11, s14, $0xb8;
	[tilespmem:$0x16F00] =	vst v63  }
0x10a: {  	s30 =	simm.s32 $0xCA00;
	s19 =	simm.s32 $0x600  }
0x10b: {  	[tilespmem:s30], [sflag:$0x2] =	stream.indirect.gather [hbm4b:s5+s14], $0x20, s19, s14, $0xb8;
	[tilespmem:$0x16F00] =	vst v63  }
0x10c: {  	s29 =	simm.s32 $0x680;
	s24 =	simm.s32 $0xDA00  }
0x10d: {  	[tilespmem:s24], [sflag:$0x2] =	stream.indirect.gather [hbm4b:s5+s14], $0x20, s29, s14, $0xb8;
	[tilespmem:$0x16F00] =	vst v63  }
0x10e: {  	s31 =	simm.s32 $0x700;
	s22 =	simm.s32 $0xEA00  }
0x10f: {  	[tilespmem:s22], [sflag:$0x2] =	stream.indirect.gather [hbm4b:s5+s14], $0x20, s31, s14, $0xb8;
	[tilespmem:$0x16F00] =	vst v63  }
0x110: {  	s17 =	simm.s32 $0x780;
	s20 =	simm.s32 $0xFA00  }
0x111: {  	[tilespmem:s20], [sflag:$0x2] =	stream.indirect.gather [hbm4b:s5+s14], $0x20, s17, s14, $0xb8;
	[tilespmem:$0x16F00] =	vst v63  }
0x112: {  	s18 =	simm.s32 $0x800;
	s26 =	simm.s32 $0x10A00  }
0x113: {  	[tilespmem:s26], [sflag:$0x2] =	stream.indirect.gather [hbm4b:s5+s14], $0x20, s18, s14, $0xb8;
	[tilespmem:$0x16F00] =	vst v63  }
0x114: {  	s23 =	simm.s32 $0x880;
	s7 =	simm.s32 $0x11A00  }
0x115: {  	[tilespmem:s7], [sflag:$0x2] =	stream.indirect.gather [hbm4b:s5+s14], $0x20, s23, s14, $0xb8;
	[tilespmem:$0x16F00] =	vst v63  }
0x116: {  	s28 =	simm.s32 $0x12A00;
	s31 =	simm.s32 $0x900  }
0x117: {  	[tilespmem:s28], [sflag:$0x2] =	stream.indirect.gather [hbm4b:s5+s14], $0x20, s31, s14, $0xb8;
	[tilespmem:$0x16F00] =	vst v63  }
0x118: {  	s25 =	simm.s32 $0x980;
	s29 =	simm.s32 $0x13A00  }
0x119: {  	[tilespmem:s29], [sflag:$0x2] =	stream.indirect.gather [hbm4b:s5+s14], $0x20, s25, s14, $0xb8;
	[tilespmem:$0x16F00] =	vst v63  }
0x11a: {  	_ =	swait.ge [sflag:s3], $0xA000  }
0x11b: {  	[sflag:s3] =	ssyncset.done $0x0  }
0x11c: {  	[sflag:s3] =	ssyncadd.s32 $0xFFFF6000  }
0x11d: {  	[spmem:s2] =	stream.indirect.scatter.add.f32 [tilespmem:s0], [sflag:$0x4], $0x20, s8, s9, $0xb8;
	[tilespmem:$0x16F00] =	vst v63  }
0x11e: {  	s6 =	sadd.s32 $0x14000, s6;
	_ =	swait.ge [sflag:s10], $0xA000  }
0x11f: {  	s6 =	sshrl.u32 s6, $0x3;
	[sflag:s10] =	ssyncset.done $0x0  }
0x120: {  	s6 =	sadd.s32 s4, s6;
	[sflag:s10] =	ssyncadd.s32 $0xFFFF6000  }
0x121: {  	[tilespmem:s15], [sflag:$0x4] =	stream.strided.gather [hbm4b:s6+s14], $0x500, s16, s14, $0x38;
	[tilespmem:$0x16F00] =	vst v63  }
0x122: {  	_ =	swait.ge [sflag:s10], $0x500  }
0x123: {  	[sflag:s10] =	ssyncset.done $0x0  }
0x124: {  	[sflag:s10] =	ssyncadd.s32 $0xFFFFFB00  }
0x125: {  	[tilespmem:s0], [sflag:$0x1] =	stream.indirect.gather [hbm4b:s5+s14], $0x20, s15, s14, $0xb8;
	[tilespmem:$0x16F00] =	vst v63  }
0x126: {  	s4 =	simm.s32 $0x1A00  }
0x127: {  	[tilespmem:s4], [sflag:$0x1] =	stream.indirect.gather [hbm4b:s5+s14], $0x20, s14, s14, $0xb8;
	[tilespmem:$0x16F00] =	vst v63  }
0x128: {  	s6 =	simm.s32 $0x100;
	s15 =	simm.s32 $0x2A00  }
0x129: {  	[tilespmem:s15], [sflag:$0x1] =	stream.indirect.gather [hbm4b:s5+s14], $0x20, s6, s14, $0xb8;
	[tilespmem:$0x16F00] =	vst v63  }
0x12a: {  	s6 =	simm.s32 $0x180;
	s15 =	simm.s32 $0x3A00  }
0x12b: {  	[tilespmem:s15], [sflag:$0x1] =	stream.indirect.gather [hbm4b:s5+s14], $0x20, s6, s14, $0xb8;
	[tilespmem:$0x16F00] =	vst v63  }
0x12c: {  	s6 =	simm.s32 $0x200;
	s15 =	simm.s32 $0x4A00  }
0x12d: {  	[tilespmem:s15], [sflag:$0x1] =	stream.indirect.gather [hbm4b:s5+s14], $0x20, s6, s14, $0xb8;
	[tilespmem:$0x16F00] =	vst v63  }
0x12e: {  	s6 =	simm.s32 $0x280;
	s15 =	simm.s32 $0x5A00  }
0x12f: {  	[tilespmem:s15], [sflag:$0x1] =	stream.indirect.gather [hbm4b:s5+s14], $0x20, s6, s14, $0xb8;
	[tilespmem:$0x16F00] =	vst v63  }
0x130: {  	s6 =	simm.s32 $0x300;
	s15 =	simm.s32 $0x6A00  }
0x131: {  	[tilespmem:s15], [sflag:$0x1] =	stream.indirect.gather [hbm4b:s5+s14], $0x20, s6, s14, $0xb8;
	[tilespmem:$0x16F00] =	vst v63  }
0x132: {  	s6 =	simm.s32 $0x380;
	s15 =	simm.s32 $0x7A00  }
0x133: {  	[tilespmem:s15], [sflag:$0x1] =	stream.indirect.gather [hbm4b:s5+s14], $0x20, s6, s14, $0xb8;
	[tilespmem:$0x16F00] =	vst v63  }
0x134: {  	s6 =	simm.s32 $0x400;
	s15 =	simm.s32 $0x8A00  }
0x135: {  	[tilespmem:s15], [sflag:$0x1] =	stream.indirect.gather [hbm4b:s5+s14], $0x20, s6, s14, $0xb8;
	[tilespmem:$0x16F00] =	vst v63  }
0x136: {  	s4 =	simm.s32 $0x480;
	s6 =	simm.s32 $0x9A00  }
0x137: {  	[tilespmem:s6], [sflag:$0x1] =	stream.indirect.gather [hbm4b:s5+s14], $0x20, s4, s14, $0xb8;
	[tilespmem:$0x16F00] =	vst v63  }
0x138: {  	_ =	swait.ge [sflag:s12], $0xA000  }
0x139: {  	[sflag:s12] =	ssyncset.done $0x0  }
0x13a: {  	[sflag:s12] =	ssyncadd.s32 $0xFFFF6000  }
0x13b: {  	[spmem:s2] =	stream.indirect.scatter.add.f32 [tilespmem:s21], [sflag:$0x3], $0x20, s8, s9, $0xb8;
	[tilespmem:$0x16F00] =	vst v63  }
0x13c: {  	_ =	swait.ge [sflag:s13], $0xA000  }
0x13d: {  	[sflag:s13] =	ssyncset.done $0x0  }
0x13e: {  	s15 =	rddreg [dreg:$0x9];
	[sflag:s13] =	ssyncadd.s32 $0xFFFF6000  }
0x13f: {  	[tilespmem:s9], [sflag:$0x4] =	stream.strided.gather [hbm4b:s15+s14], $0x500, s16, s14, $0x38;
	[tilespmem:$0x16F00] =	vst v63  }
0x140: {  	_ =	swait.ge [sflag:s10], $0x500  }
0x141: {  	[sflag:s10] =	ssyncset.done $0x0  }
0x142: {  	[sflag:s10] =	ssyncadd.s32 $0xFFFFFB00  }
0x143: {  	[tilespmem:s21], [sflag:$0x2] =	stream.indirect.gather [hbm4b:s5+s14], $0x20, s9, s14, $0xb8;
	[tilespmem:$0x16F00] =	vst v63  }
0x144: {  	s16 =	simm.s32 $0xBA00  }
0x145: {  	[tilespmem:s16], [sflag:$0x2] =	stream.indirect.gather [hbm4b:s5+s14], $0x20, s11, s14, $0xb8;
	[tilespmem:$0x16F00] =	vst v63  }
0x146: {  	_ = 	snop  }
0x147: {  	[tilespmem:s30], [sflag:$0x2] =	stream.indirect.gather [hbm4b:s5+s14], $0x20, s19, s14, $0xb8;
	[tilespmem:$0x16F00] =	vst v63  }
0x148: {  	s19 =	simm.s32 $0x680  }
0x149: {  	[tilespmem:s24], [sflag:$0x2] =	stream.indirect.gather [hbm4b:s5+s14], $0x20, s19, s14, $0xb8;
	[tilespmem:$0x16F00] =	vst v63  }
0x14a: {  	s30 =	simm.s32 $0x700  }
0x14b: {  	[tilespmem:s22], [sflag:$0x2] =	stream.indirect.gather [hbm4b:s5+s14], $0x20, s30, s14, $0xb8;
	[tilespmem:$0x16F00] =	vst v63  }
0x14c: {  	_ = 	snop  }
0x14d: {  	[tilespmem:s20], [sflag:$0x2] =	stream.indirect.gather [hbm4b:s5+s14], $0x20, s17, s14, $0xb8;
	[tilespmem:$0x16F00] =	vst v63  }
0x14e: {  	_ = 	snop  }
0x14f: {  	[tilespmem:s26], [sflag:$0x2] =	stream.indirect.gather [hbm4b:s5+s14], $0x20, s18, s14, $0xb8;
	[tilespmem:$0x16F00] =	vst v63  }
0x150: {  	_ = 	snop  }
0x151: {  	[tilespmem:s7], [sflag:$0x2] =	stream.indirect.gather [hbm4b:s5+s14], $0x20, s23, s14, $0xb8;
	[tilespmem:$0x16F00] =	vst v63  }
0x152: {  	_ = 	snop  }
0x153: {  	[tilespmem:s28], [sflag:$0x2] =	stream.indirect.gather [hbm4b:s5+s14], $0x20, s31, s14, $0xb8;
	[tilespmem:$0x16F00] =	vst v63  }
0x154: {  	_ = 	snop  }
0x155: {  	[tilespmem:s29], [sflag:$0x2] =	stream.indirect.gather [hbm4b:s5+s14], $0x20, s25, s14, $0xb8;
	[tilespmem:$0x16F00] =	vst v63  }
0x156: {  	_ =	swait.ge [sflag:s3], $0xA000  }
0x157: {  	[sflag:s3] =	ssyncset.done $0x0  }
0x158: {  	[sflag:s3] =	ssyncadd.s32 $0xFFFF6000  }
0x159: {  	[spmem:s2] =	stream.indirect.scatter.add.f32 [tilespmem:s0], [sflag:$0x4], $0x20, s8, s9, $0xb8;
	[tilespmem:$0x16F00] =	vst v63  }
0x15a: {  	_ =	swait.ge [sflag:s10], $0xA000  }
0x15b: {  	[sflag:s10] =	ssyncset.done $0x0  }
0x15c: {  	[sflag:s10] =	ssyncadd.s32 $0xFFFF6000  }
0x15d: {  	_ =	swait.ge [sflag:s12], $0xA000  }
0x15e: {  	[sflag:s12] =	ssyncset.done $0x0  }
0x15f: {  	[sflag:s12] =	ssyncadd.s32 $0xFFFF6000  }
0x160: {  	[spmem:s2] =	stream.indirect.scatter.add.f32 [tilespmem:s21], [sflag:$0x3], $0x20, s8, s9, $0xb8;
	[tilespmem:$0x16F00] =	vst v63  }
0x161: {  	s6 =	simm.s32 $0x0;
	_ =	swait.ge [sflag:s13], $0xA000  }
0x162: {  	s15 =	simm.s32 $0x1000;
	s11 =	simm.s32 $0x80;
	[sflag:s13] =	ssyncset.done $0x0  }
0x163: {  	s18 =	simm.s32 $0x14F00;
	s1 =	rddreg [dreg:$0x5];
	[sflag:s13] =	ssyncadd.s32 $0xFFFF6000  }
0x164: {  	[tilespmem:s18], [sflag:$0x3] =	stream.linear.gather [spmem:s1], $0x1000, $0x38;
	[tilespmem:$0x16F00] =	vst v63  }
0x165: {  	s16 =	simm.s32 $0xA00;
	s24 =	simm.s32 $0x12A00;
	_ =	swait.ge [sflag:s13], $0x1000  }
0x166: {  	s22 =	simm.s32 $0xCA00;
	s20 =	simm.s32 $0x900;
	[sflag:s13] =	ssyncset.done $0x0  }
0x167: {  	s23 =	simm.s32 $0x600;
	s7 =	simm.s32 $0xAA00;
	[sflag:s13] =	ssyncadd.s32 $0xFFFFF000  }
0x168: {  	s25 =	simm.s32 $0x980;
	s21 =	simm.s32 $0xBA00;
	s8 =	simm.s32 $0x13A00;
	v9 =	vld [tilespmem:s6+$0x14F00]  }
.LBB2_6:
0x169: {  	p0 =	sne.s32 s11, $0x3F80;
	v10 =	vld [tilespmem:s6+$0x14F10];
	_ =	sdelay $0x2  }
.Ltmp2:
0x16a: {  	(pc) =	sbr.rel @p0 .LBB2_6-.Ltmp2, $4  }
0x16b: {  	v9 =	vmul.f32 $4.999999890e-03, v9  }
0x16c: {  	v10 =	vmul.f32 $4.999999890e-03, v10  }
0x16d: {  	s17 =	sshra.s32 s11, $0x2;
	[tilespmem:s6+$0x14F00] =	vst v9  }
0x16e: {  	s11 =	sadd.s32 $0x80, s11;
	v9 =	vld [tilespmem:s17+$0x14F00];
	[tilespmem:s6+$0x14F10] =	vst v10;
	s6 =	smov.u32 s17  }
0x16f: {  	v10 =	vld [tilespmem:s6+$0x14F10];
	_ =	sdelay $0x3  }
0x170: {  	v9 =	vmul.f32 $4.999999890e-03, v9  }
0x171: {  	v10 =	vmul.f32 $4.999999890e-03, v10  }
0x172: {  	[tilespmem:s6+$0x14F00] =	vst v9  }
0x173: {  	s30 =	rddreg [dreg:$0x7];
	s0 =	simm.s32 $0x0;
	[tilespmem:s6+$0x14F10] =	vst v10  }
0x174: {  	[hbm4b:s30+s0] =	stream.linear.scatter [tilespmem:s18], [sflag:$0x3], $0x1000, $0x38;
	[tilespmem:$0x16F00] =	vst v63  }
0x175: {  	_ =	swait.ge [sflag:s13], $0x1000  }
0x176: {  	s11 =	rddreg [dreg:$0xb]  }
0x177: {  	s31 =	rddreg [dreg:$0x8];
	s11 =	sadd.s32 $0x1, s11  }
0x178: {  	p0 =	sne.s32 s11, s31  }
.Ltmp3:
0x179: {  	_ = 	snop;
	(pc) =	sbr.rel @p0 .LBB2_1-.Ltmp3, $3  }
0x17a: {  	_ =	sdelay $0x1  }
0x17b: {  	s19 =	simm.s32 $0x580;
	[sflag:s13] =	ssyncset.done $0x0  }
0x17c: {  	s0 =	simm.s32 $0x11A00;
	s4 =	rddreg [dreg:$0xc];
	[sflag:s13] =	ssyncadd.s32 $0xFFFFF000  }
0x17d: {  	_ =	sfence.sel $0x180000  }
0x17e: {  	[bflag:$0x0] =	sbarrier.arrive $0xFFFF  }
0x17f: {  	_ =	strace $0x90000047  }
0x180: {  	s0 =	stileid.u32;
	[bflag:$0x2] =	sbarrier.arrive $0xFFFF  }
0x181: {  	p0 =	sne.s32 s0, $0x0;
	s0 =	rddreg [dreg:$0x3]  }
0x182: {  	s0 =	sadd.s32 @!p0 $0x100000, s0  }
0x183: {  	[sflag:s0] =	ssyncadd.tile.s32 @!p0 $0x1;
	_ =	shalt  }
.Lfunc_end2:
_tile_overlayer_lowered:
.L_overlay_start_2:
0x184: {  	(tag) =	ssettag $0x2  }
0x185: {  	s0 =	rddreg [dreg:$0x0];
	s2 =	stileid.u32  }
0x186: {  	s1 =	rddreg [dreg:$0x1];
	p0 =	sne.s32 s2, $0x0  }
0x187: {  	s3 =	rddreg [dreg:$0x2];
	[bflag:$0x3] =	sbarrier.arrive $0xFFFF;
	s2 =	simm.s32 @!p0 $0x1C03  }
0x188: {  	[timem:s3], [sflag:s2] =	dma.local @!p0 [hbm:s0], s1  }
0x189: {  	s0 =	simm.s32 @!p0 $0x3  }
0x18a: {  	_ =	swait.ge @!p0 [sflag:s0], s1  }
0x18b: {  	s1 =	ssub.s32 @!p0 $0x0, s1;
	[sflag:s0] =	ssyncset.done @!p0 $0x0  }
0x18c: {  	[sflag:s0] =	ssyncadd.s32 @!p0 s1  }
0x18d: {  	[bflag:$0x3] =	sbarrier.arrive $0xFFFF  }
0x18e: {  	_ =	shalt  }

</sc_bundles>
